<compile_context>
chip_gen: v7x
topology: tpu7x:2x2x1
jax: 0.10.2.dev20260603
libtpu: 0.0.44.dev20260713+nightly
codegen_flags: <defaults>
</compile_context>

<pallas_src>
import functools

import jax
import jax.numpy as jnp
from jax import lax
from jax.experimental import pallas as pl
from jax.experimental.pallas import tpu as pltpu
from jax.experimental.pallas import tpu_sc as plsc

B, L = 4096, 50
V, D, P = 100000, 128, 10
PL = P + L
G = 2
NSL = D // 16


def _sc_pooled(ids_flat, embedding, prefix):
    mesh = plsc.VectorSubcoreMesh(core_axis_name="c", subcore_axis_name="s")

    @functools.partial(
        pl.kernel,
        out_type=jax.ShapeDtypeStruct((B, D), jnp.float32),
        mesh=mesh,
        scratch_types=[
            pltpu.VMEM((G * L, D), jnp.float32),
            pltpu.VMEM((P, D), jnp.float32),
            pltpu.VMEM((1, D), jnp.float32),
            pltpu.SemaphoreType.DMA,
        ],
    )
    def kern(ids_hbm, emb_hbm, prefix_hbm, out_hbm, rows_v, pref_v, psum_v, sem):
        pltpu.async_copy(prefix_hbm, pref_v, sem).wait()
        for c in range(NSL):
            acc = pref_v[0, c * 16:(c + 1) * 16]
            for p in range(1, P):
                acc = acc + pref_v[p, c * 16:(c + 1) * 16]
            psum_v[0, c * 16:(c + 1) * 16] = acc

        def body(idx_v, out_v):
            pltpu.sync_copy(emb_hbm.at[idx_v.at[0]], rows_v)
            inv = jnp.float32(1.0 / PL)
            for g in range(G):
                accs0 = tuple(psum_v[0, c * 16:(c + 1) * 16] for c in range(NSL))

                def lbody(l, accs, g=g):
                    r = g * L + l
                    return tuple(
                        accs[c] + rows_v[r, c * 16:(c + 1) * 16]
                        for c in range(NSL)
                    )

                accs = lax.fori_loop(0, L, lbody, accs0)
                for c in range(NSL):
                    out_v[g, c * 16:(c + 1) * 16] = accs[c] * inv

        pltpu.emit_pipeline(
            body,
            grid=(B // G,),
            in_specs=[pl.BlockSpec((1, G * L), lambda i: (i, 0))],
            out_specs=[pl.BlockSpec((G, D), lambda i: (i, 0))],
            core_axis_name=("c", "s"),
            dimension_semantics=(pltpu.PARALLEL,),
        )(ids_hbm, out_hbm)

    return kern(ids_flat, embedding, prefix)


BV = 1024
NV = (V + BV - 1) // BV


def _tc_matmul_kernel(pooled_ref, w_ref, b_ref, out_ref):
    acc = lax.dot_general(
        pooled_ref[...], w_ref[...],
        dimension_numbers=(((1,), (1,)), ((), ())),
        preferred_element_type=jnp.float32,
    )
    out_ref[...] = acc + b_ref[...]


def _tc_logits(pooled, W, b2d):
    return pl.pallas_call(
        _tc_matmul_kernel,
        grid=(NV,),
        in_specs=[
            pl.BlockSpec((B, D), lambda j: (0, 0)),
            pl.BlockSpec((BV, D), lambda j: (j, 0)),
            pl.BlockSpec((1, BV), lambda j: (0, j)),
        ],
        out_specs=pl.BlockSpec((B, BV), lambda j: (0, j)),
        out_shape=jax.ShapeDtypeStruct((B, V), jnp.float32),
    )(pooled, W, b2d)


BVT = 512
NVT = (V + BVT - 1) // BVT


def _tc_matmul_t_kernel(w_ref, pt_ref, b_ref, out_ref):
    acc = lax.dot_general(
        w_ref[...], pt_ref[...],
        dimension_numbers=(((1,), (0,)), ((), ())),
        preferred_element_type=jnp.float32,
    )
    out_ref[...] = acc + b_ref[...]


def _tc_logits_t(W, pooledT, b2d):
    return pl.pallas_call(
        _tc_matmul_t_kernel,
        grid=(NVT,),
        in_specs=[
            pl.BlockSpec((BVT, D), lambda j: (j, 0)),
            pl.BlockSpec((D, B), lambda j: (0, 0)),
            pl.BlockSpec((BVT, 1), lambda j: (j, 0)),
        ],
        out_specs=pl.BlockSpec((BVT, B), lambda j: (j, 0)),
        out_shape=jax.ShapeDtypeStruct((V, B), jnp.float32),
    )(W, pooledT, b2d)


def kernel(input_ids, embedding, prefix, W, b):
    ids_flat = input_ids.reshape(B // G, G * L).astype(jnp.int32)
    pooled = _sc_pooled(ids_flat, embedding, prefix)
    logits_t = _tc_logits_t(W, pooled.T, b.reshape(V, 1))
    return logits_t.T

# --- scband reference (transcript-rebuilt; emitter-appended) ---
"""Pipeline reference for scband-prefix-tuning-79199196938432 (READ-ONLY COPY).

The authoritative reference and input builder live on the scoring server;
editing this copy changes nothing except your own understanding.
"""

import jax, jax.numpy as jnp
import numpy as np

B, L = 4096, 50
V, D, P = 100000, 128, 10

def setup_inputs(seed: int = 0) -> dict:
    key = jax.random.key(seed)
    k1, k2, k3, k4 = jax.random.split(key, 4)
    input_ids = jax.random.randint(k1, (B, L), 0, V)
    embedding = jax.random.normal(k2, (V, D), dtype=jnp.float32) * 0.02
    prefix = jax.random.normal(k3, (P, D), dtype=jnp.float32)
    W = jax.random.normal(k4, (V, D), dtype=jnp.float32) * 0.02
    b = jnp.zeros((V,), dtype=jnp.float32)
    return {"input_ids": input_ids, "embedding": embedding, "prefix": prefix, "W": W, "b": b}

def reference(input_ids, embedding, prefix, W, b):
    batch_size = input_ids.shape[0]
    # nn.Embedding lookup -> gather
    input_embeds = jnp.take(embedding, input_ids, axis=0)  # [B, L, D]
    # prefix expand to batch
    prefix_embeds = jnp.broadcast_to(prefix[None, :, :], (batch_size, prefix.shape[0], prefix.shape[1]))  # [B, P, D]
    combined_embeds = jnp.concatenate([prefix_embeds, input_embeds], axis=1)  # [B, P+L, D]
    pooled = combined_embeds.mean(axis=1)  # [B, D]
    # nn.Linear: x @ W.T + b
    logits = pooled @ W.T + b  # [B, V]
    return logits

if __name__ == "__main__":
    import jax
    _d = setup_inputs()
    print(jax.jit(kernel)(*tuple(_d.values())))

</pallas_src>

<mosaic_0001>
#map = affine_map<(d0, d1) -> (0, 0)>
module attributes {stable_mosaic.version = 14 : i64} {
  func.func @kern(%arg0: i32, %arg1: i32, %arg2: memref<2048x100xi32, #tpu.memory_space<hbm>>, %arg3: memref<100000x128xf32, #tpu.memory_space<hbm>>, %arg4: memref<10x128xf32, #tpu.memory_space<hbm>>, %arg5: memref<4096x128xf32, #tpu.memory_space<hbm>>, %arg6: memref<100x128xf32, #tpu.memory_space<vmem>>, %arg7: memref<10x128xf32, #tpu.memory_space<vmem>>, %arg8: memref<1x128xf32, #tpu.memory_space<vmem>>, %arg9: memref<!tpu.dma_semaphore, #tpu.memory_space<semaphore_mem>>) attributes {dimension_semantics = [#tpu.dimension_semantics<core_parallel>, #tpu.dimension_semantics<subcore_parallel>], iteration_bounds = array<i64: 2, 16>, scalar_prefetch = 0 : i64, scratch_operands = 4 : i64, tpu.core_type = #tpu.core_type<sc_vector_subcore>, window_params = [{transform_indices = #map}, {transform_indices = #map}, {transform_indices = #map}, {transform_indices = #map}]} {
    tpu.enqueue_dma source(%arg4 : memref<10x128xf32, #tpu.memory_space<hbm>>) target(%arg7 : memref<10x128xf32, #tpu.memory_space<vmem>>) target_semaphore(%arg9 : memref<!tpu.dma_semaphore, #tpu.memory_space<semaphore_mem>>)
    tpu.wait_dma2 semaphore(%arg9 : memref<!tpu.dma_semaphore, #tpu.memory_space<semaphore_mem>>) src(%arg4 : memref<10x128xf32, #tpu.memory_space<hbm>>) dst(%arg7 : memref<10x128xf32, #tpu.memory_space<vmem>>)
    %get3A = arith.constant 0 : i32
    %get3A_0 = arith.index_cast %get3A : i32 to index
    %get3A_1 = arith.constant 0 : index
    %get3A_2 = tpu.vector_load %arg7[%get3A_0, %get3A_1] {strides = array<i32>} : memref<10x128xf32, #tpu.memory_space<vmem>>, vector<1x16xf32>,
    %get3A_3 = vector.shape_cast %get3A_2 : vector<1x16xf32> to vector<16xf32>
    %get3A_4 = arith.constant 1 : i32
    %get3A_5 = arith.index_cast %get3A_4 : i32 to index
    %get3A_6 = arith.constant 0 : index
    %get3A_7 = tpu.vector_load %arg7[%get3A_5, %get3A_6] {strides = array<i32>} : memref<10x128xf32, #tpu.memory_space<vmem>>, vector<1x16xf32>,
    %get3A_8 = vector.shape_cast %get3A_7 : vector<1x16xf32> to vector<16xf32>
    %add3A = arith.addf %get3A_3, %get3A_8 : vector<16xf32>
    %get3A_9 = arith.constant 2 : i32
    %get3A_10 = arith.index_cast %get3A_9 : i32 to index
    %get3A_11 = arith.constant 0 : index
    %get3A_12 = tpu.vector_load %arg7[%get3A_10, %get3A_11] {strides = array<i32>} : memref<10x128xf32, #tpu.memory_space<vmem>>, vector<1x16xf32>,
    %get3A_13 = vector.shape_cast %get3A_12 : vector<1x16xf32> to vector<16xf32>
    %add3A_14 = arith.addf %add3A, %get3A_13 : vector<16xf32>
    %get3A_15 = arith.constant 3 : i32
    %get3A_16 = arith.index_cast %get3A_15 : i32 to index
    %get3A_17 = arith.constant 0 : index
    %get3A_18 = tpu.vector_load %arg7[%get3A_16, %get3A_17] {strides = array<i32>} : memref<10x128xf32, #tpu.memory_space<vmem>>, vector<1x16xf32>,
    %get3A_19 = vector.shape_cast %get3A_18 : vector<1x16xf32> to vector<16xf32>
    %add3A_20 = arith.addf %add3A_14, %get3A_19 : vector<16xf32>
    %get3A_21 = arith.constant 4 : i32
    %get3A_22 = arith.index_cast %get3A_21 : i32 to index
    %get3A_23 = arith.constant 0 : index
    %get3A_24 = tpu.vector_load %arg7[%get3A_22, %get3A_23] {strides = array<i32>} : memref<10x128xf32, #tpu.memory_space<vmem>>, vector<1x16xf32>,
    %get3A_25 = vector.shape_cast %get3A_24 : vector<1x16xf32> to vector<16xf32>
    %add3A_26 = arith.addf %add3A_20, %get3A_25 : vector<16xf32>
    %get3A_27 = arith.constant 5 : i32
    %get3A_28 = arith.index_cast %get3A_27 : i32 to index
    %get3A_29 = arith.constant 0 : index
    %get3A_30 = tpu.vector_load %arg7[%get3A_28, %get3A_29] {strides = array<i32>} : memref<10x128xf32, #tpu.memory_space<vmem>>, vector<1x16xf32>,
    %get3A_31 = vector.shape_cast %get3A_30 : vector<1x16xf32> to vector<16xf32>
    %add3A_32 = arith.addf %add3A_26, %get3A_31 : vector<16xf32>
    %get3A_33 = arith.constant 6 : i32
    %get3A_34 = arith.index_cast %get3A_33 : i32 to index
    %get3A_35 = arith.constant 0 : index
    %get3A_36 = tpu.vector_load %arg7[%get3A_34, %get3A_35] {strides = array<i32>} : memref<10x128xf32, #tpu.memory_space<vmem>>, vector<1x16xf32>,
    %get3A_37 = vector.shape_cast %get3A_36 : vector<1x16xf32> to vector<16xf32>
    %add3A_38 = arith.addf %add3A_32, %get3A_37 : vector<16xf32>
    %get3A_39 = arith.constant 7 : i32
    %get3A_40 = arith.index_cast %get3A_39 : i32 to index
    %get3A_41 = arith.constant 0 : index
    %get3A_42 = tpu.vector_load %arg7[%get3A_40, %get3A_41] {strides = array<i32>} : memref<10x128xf32, #tpu.memory_space<vmem>>, vector<1x16xf32>,
    %get3A_43 = vector.shape_cast %get3A_42 : vector<1x16xf32> to vector<16xf32>
    %add3A_44 = arith.addf %add3A_38, %get3A_43 : vector<16xf32>
    %get3A_45 = arith.constant 8 : i32
    %get3A_46 = arith.index_cast %get3A_45 : i32 to index
    %get3A_47 = arith.constant 0 : index
    %get3A_48 = tpu.vector_load %arg7[%get3A_46, %get3A_47] {strides = array<i32>} : memref<10x128xf32, #tpu.memory_space<vmem>>, vector<1x16xf32>,
    %get3A_49 = vector.shape_cast %get3A_48 : vector<1x16xf32> to vector<16xf32>
    %add3A_50 = arith.addf %add3A_44, %get3A_49 : vector<16xf32>
    %get3A_51 = arith.constant 9 : i32
    %get3A_52 = arith.index_cast %get3A_51 : i32 to index
    %get3A_53 = arith.constant 0 : index
    %get3A_54 = tpu.vector_load %arg7[%get3A_52, %get3A_53] {strides = array<i32>} : memref<10x128xf32, #tpu.memory_space<vmem>>, vector<1x16xf32>,
    %get3A_55 = vector.shape_cast %get3A_54 : vector<1x16xf32> to vector<16xf32>
    %add3A_56 = arith.addf %add3A_50, %get3A_55 : vector<16xf32>
    %swap3A = arith.constant 0 : i32
    %swap3A_57 = arith.index_cast %swap3A : i32 to index
    %swap3A_58 = arith.constant 0 : index
    %swap3A_59 = tpu.vector_load %arg8[%swap3A_57, %swap3A_58] {strides = array<i32>} : memref<1x128xf32, #tpu.memory_space<vmem>>, vector<1x16xf32>,
    %swap3A_60 = vector.shape_cast %swap3A_59 : vector<1x16xf32> to vector<16xf32>
    %swap3A_61 = vector.shape_cast %add3A_56 : vector<16xf32> to vector<1x16xf32>
    tpu.vector_store %arg8[%swap3A_57, %swap3A_58], %swap3A_61 {strides = array<i32>} : memref<1x128xf32, #tpu.memory_space<vmem>>, vector<1x16xf32>,
    %get3A_62 = arith.constant 0 : i32
    %get3A_63 = arith.index_cast %get3A_62 : i32 to index
    %get3A_64 = arith.constant 16 : index
    %get3A_65 = tpu.vector_load %arg7[%get3A_63, %get3A_64] {strides = array<i32>} : memref<10x128xf32, #tpu.memory_space<vmem>>, vector<1x16xf32>,
    %get3A_66 = vector.shape_cast %get3A_65 : vector<1x16xf32> to vector<16xf32>
    %get3A_67 = arith.constant 1 : i32
    %get3A_68 = arith.index_cast %get3A_67 : i32 to index
    %get3A_69 = arith.constant 16 : index
    %get3A_70 = tpu.vector_load %arg7[%get3A_68, %get3A_69] {strides = array<i32>} : memref<10x128xf32, #tpu.memory_space<vmem>>, vector<1x16xf32>,
    %get3A_71 = vector.shape_cast %get3A_70 : vector<1x16xf32> to vector<16xf32>
    %add3A_72 = arith.addf %get3A_66, %get3A_71 : vector<16xf32>
    %get3A_73 = arith.constant 2 : i32
    %get3A_74 = arith.index_cast %get3A_73 : i32 to index
    %get3A_75 = arith.constant 16 : index
    %get3A_76 = tpu.vector_load %arg7[%get3A_74, %get3A_75] {strides = array<i32>} : memref<10x128xf32, #tpu.memory_space<vmem>>, vector<1x16xf32>,
    %get3A_77 = vector.shape_cast %get3A_76 : vector<1x16xf32> to vector<16xf32>
    %add3A_78 = arith.addf %add3A_72, %get3A_77 : vector<16xf32>
    %get3A_79 = arith.constant 3 : i32
    %get3A_80 = arith.index_cast %get3A_79 : i32 to index
    %get3A_81 = arith.constant 16 : index
    %get3A_82 = tpu.vector_load %arg7[%get3A_80, %get3A_81] {strides = array<i32>} : memref<10x128xf32, #tpu.memory_space<vmem>>, vector<1x16xf32>,
    %get3A_83 = vector.shape_cast %get3A_82 : vector<1x16xf32> to vector<16xf32>
    %add3A_84 = arith.addf %add3A_78, %get3A_83 : vector<16xf32>
    %get3A_85 = arith.constant 4 : i32
    %get3A_86 = arith.index_cast %get3A_85 : i32 to index
    %get3A_87 = arith.constant 16 : index
    %get3A_88 = tpu.vector_load %arg7[%get3A_86, %get3A_87] {strides = array<i32>} : memref<10x128xf32, #tpu.memory_space<vmem>>, vector<1x16xf32>,
    %get3A_89 = vector.shape_cast %get3A_88 : vector<1x16xf32> to vector<16xf32>
    %add3A_90 = arith.addf %add3A_84, %get3A_89 : vector<16xf32>
    %get3A_91 = arith.constant 5 : i32
    %get3A_92 = arith.index_cast %get3A_91 : i32 to index
    %get3A_93 = arith.constant 16 : index
    %get3A_94 = tpu.vector_load %arg7[%get3A_92, %get3A_93] {strides = array<i32>} : memref<10x128xf32, #tpu.memory_space<vmem>>, vector<1x16xf32>,
    %get3A_95 = vector.shape_cast %get3A_94 : vector<1x16xf32> to vector<16xf32>
    %add3A_96 = arith.addf %add3A_90, %get3A_95 : vector<16xf32>
    %get3A_97 = arith.constant 6 : i32
    %get3A_98 = arith.index_cast %get3A_97 : i32 to index
    %get3A_99 = arith.constant 16 : index
    %get3A_100 = tpu.vector_load %arg7[%get3A_98, %get3A_99] {strides = array<i32>} : memref<10x128xf32, #tpu.memory_space<vmem>>, vector<1x16xf32>,
    %get3A_101 = vector.shape_cast %get3A_100 : vector<1x16xf32> to vector<16xf32>
    %add3A_102 = arith.addf %add3A_96, %get3A_101 : vector<16xf32>
    %get3A_103 = arith.constant 7 : i32
    %get3A_104 = arith.index_cast %get3A_103 : i32 to index
    %get3A_105 = arith.constant 16 : index
    %get3A_106 = tpu.vector_load %arg7[%get3A_104, %get3A_105] {strides = array<i32>} : memref<10x128xf32, #tpu.memory_space<vmem>>, vector<1x16xf32>,
    %get3A_107 = vector.shape_cast %get3A_106 : vector<1x16xf32> to vector<16xf32>
    %add3A_108 = arith.addf %add3A_102, %get3A_107 : vector<16xf32>
    %get3A_109 = arith.constant 8 : i32
    %get3A_110 = arith.index_cast %get3A_109 : i32 to index
    %get3A_111 = arith.constant 16 : index
    %get3A_112 = tpu.vector_load %arg7[%get3A_110, %get3A_111] {strides = array<i32>} : memref<10x128xf32, #tpu.memory_space<vmem>>, vector<1x16xf32>,
    %get3A_113 = vector.shape_cast %get3A_112 : vector<1x16xf32> to vector<16xf32>
    %add3A_114 = arith.addf %add3A_108, %get3A_113 : vector<16xf32>
    %get3A_115 = arith.constant 9 : i32
    %get3A_116 = arith.index_cast %get3A_115 : i32 to index
    %get3A_117 = arith.constant 16 : index
    %get3A_118 = tpu.vector_load %arg7[%get3A_116, %get3A_117] {strides = array<i32>} : memref<10x128xf32, #tpu.memory_space<vmem>>, vector<1x16xf32>,
    %get3A_119 = vector.shape_cast %get3A_118 : vector<1x16xf32> to vector<16xf32>
    %add3A_120 = arith.addf %add3A_114, %get3A_119 : vector<16xf32>
    %swap3A_121 = arith.constant 0 : i32
    %swap3A_122 = arith.index_cast %swap3A_121 : i32 to index
    %swap3A_123 = arith.constant 16 : index
    %swap3A_124 = tpu.vector_load %arg8[%swap3A_122, %swap3A_123] {strides = array<i32>} : memref<1x128xf32, #tpu.memory_space<vmem>>, vector<1x16xf32>,
    %swap3A_125 = vector.shape_cast %swap3A_124 : vector<1x16xf32> to vector<16xf32>
    %swap3A_126 = vector.shape_cast %add3A_120 : vector<16xf32> to vector<1x16xf32>
    tpu.vector_store %arg8[%swap3A_122, %swap3A_123], %swap3A_126 {strides = array<i32>} : memref<1x128xf32, #tpu.memory_space<vmem>>, vector<1x16xf32>,
    %get3A_127 = arith.constant 0 : i32
    %get3A_128 = arith.index_cast %get3A_127 : i32 to index
    %get3A_129 = arith.constant 32 : index
    %get3A_130 = tpu.vector_load %arg7[%get3A_128, %get3A_129] {strides = array<i32>} : memref<10x128xf32, #tpu.memory_space<vmem>>, vector<1x16xf32>,
    %get3A_131 = vector.shape_cast %get3A_130 : vector<1x16xf32> to vector<16xf32>
    %get3A_132 = arith.constant 1 : i32
    %get3A_133 = arith.index_cast %get3A_132 : i32 to index
    %get3A_134 = arith.constant 32 : index
    %get3A_135 = tpu.vector_load %arg7[%get3A_133, %get3A_134] {strides = array<i32>} : memref<10x128xf32, #tpu.memory_space<vmem>>, vector<1x16xf32>,
    %get3A_136 = vector.shape_cast %get3A_135 : vector<1x16xf32> to vector<16xf32>
    %add3A_137 = arith.addf %get3A_131, %get3A_136 : vector<16xf32>
    %get3A_138 = arith.constant 2 : i32
    %get3A_139 = arith.index_cast %get3A_138 : i32 to index
    %get3A_140 = arith.constant 32 : index
    %get3A_141 = tpu.vector_load %arg7[%get3A_139, %get3A_140] {strides = array<i32>} : memref<10x128xf32, #tpu.memory_space<vmem>>, vector<1x16xf32>,
    %get3A_142 = vector.shape_cast %get3A_141 : vector<1x16xf32> to vector<16xf32>
    %add3A_143 = arith.addf %add3A_137, %get3A_142 : vector<16xf32>
    %get3A_144 = arith.constant 3 : i32
    %get3A_145 = arith.index_cast %get3A_144 : i32 to index
    %get3A_146 = arith.constant 32 : index
    %get3A_147 = tpu.vector_load %arg7[%get3A_145, %get3A_146] {strides = array<i32>} : memref<10x128xf32, #tpu.memory_space<vmem>>, vector<1x16xf32>,
    %get3A_148 = vector.shape_cast %get3A_147 : vector<1x16xf32> to vector<16xf32>
    %add3A_149 = arith.addf %add3A_143, %get3A_148 : vector<16xf32>
    %get3A_150 = arith.constant 4 : i32
    %get3A_151 = arith.index_cast %get3A_150 : i32 to index
    %get3A_152 = arith.constant 32 : index
    %get3A_153 = tpu.vector_load %arg7[%get3A_151, %get3A_152] {strides = array<i32>} : memref<10x128xf32, #tpu.memory_space<vmem>>, vector<1x16xf32>,
    %get3A_154 = vector.shape_cast %get3A_153 : vector<1x16xf32> to vector<16xf32>
    %add3A_155 = arith.addf %add3A_149, %get3A_154 : vector<16xf32>
    %get3A_156 = arith.constant 5 : i32
    %get3A_157 = arith.index_cast %get3A_156 : i32 to index
    %get3A_158 = arith.constant 32 : index
    %get3A_159 = tpu.vector_load %arg7[%get3A_157, %get3A_158] {strides = array<i32>} : memref<10x128xf32, #tpu.memory_space<vmem>>, vector<1x16xf32>,
    %get3A_160 = vector.shape_cast %get3A_159 : vector<1x16xf32> to vector<16xf32>
    %add3A_161 = arith.addf %add3A_155, %get3A_160 : vector<16xf32>
    %get3A_162 = arith.constant 6 : i32
    %get3A_163 = arith.index_cast %get3A_162 : i32 to index
    %get3A_164 = arith.constant 32 : index
    %get3A_165 = tpu.vector_load %arg7[%get3A_163, %get3A_164] {strides = array<i32>} : memref<10x128xf32, #tpu.memory_space<vmem>>, vector<1x16xf32>,
    %get3A_166 = vector.shape_cast %get3A_165 : vector<1x16xf32> to vector<16xf32>
    %add3A_167 = arith.addf %add3A_161, %get3A_166 : vector<16xf32>
    %get3A_168 = arith.constant 7 : i32
    %get3A_169 = arith.index_cast %get3A_168 : i32 to index
    %get3A_170 = arith.constant 32 : index
    %get3A_171 = tpu.vector_load %arg7[%get3A_169, %get3A_170] {strides = array<i32>} : memref<10x128xf32, #tpu.memory_space<vmem>>, vector<1x16xf32>,
    %get3A_172 = vector.shape_cast %get3A_171 : vector<1x16xf32> to vector<16xf32>
    %add3A_173 = arith.addf %add3A_167, %get3A_172 : vector<16xf32>
    %get3A_174 = arith.constant 8 : i32
    %get3A_175 = arith.index_cast %get3A_174 : i32 to index
    %get3A_176 = arith.constant 32 : index
    %get3A_177 = tpu.vector_load %arg7[%get3A_175, %get3A_176] {strides = array<i32>} : memref<10x128xf32, #tpu.memory_space<vmem>>, vector<1x16xf32>,
    %get3A_178 = vector.shape_cast %get3A_177 : vector<1x16xf32> to vector<16xf32>
    %add3A_179 = arith.addf %add3A_173, %get3A_178 : vector<16xf32>
    %get3A_180 = arith.constant 9 : i32
    %get3A_181 = arith.index_cast %get3A_180 : i32 to index
    %get3A_182 = arith.constant 32 : index
    %get3A_183 = tpu.vector_load %arg7[%get3A_181, %get3A_182] {strides = array<i32>} : memref<10x128xf32, #tpu.memory_space<vmem>>, vector<1x16xf32>,
    %get3A_184 = vector.shape_cast %get3A_183 : vector<1x16xf32> to vector<16xf32>
    %add3A_185 = arith.addf %add3A_179, %get3A_184 : vector<16xf32>
    %swap3A_186 = arith.constant 0 : i32
    %swap3A_187 = arith.index_cast %swap3A_186 : i32 to index
    %swap3A_188 = arith.constant 32 : index
    %swap3A_189 = tpu.vector_load %arg8[%swap3A_187, %swap3A_188] {strides = array<i32>} : memref<1x128xf32, #tpu.memory_space<vmem>>, vector<1x16xf32>,
    %swap3A_190 = vector.shape_cast %swap3A_189 : vector<1x16xf32> to vector<16xf32>
    %swap3A_191 = vector.shape_cast %add3A_185 : vector<16xf32> to vector<1x16xf32>
    tpu.vector_store %arg8[%swap3A_187, %swap3A_188], %swap3A_191 {strides = array<i32>} : memref<1x128xf32, #tpu.memory_space<vmem>>, vector<1x16xf32>,
    %get3A_192 = arith.constant 0 : i32
    %get3A_193 = arith.index_cast %get3A_192 : i32 to index
    %get3A_194 = arith.constant 48 : index
    %get3A_195 = tpu.vector_load %arg7[%get3A_193, %get3A_194] {strides = array<i32>} : memref<10x128xf32, #tpu.memory_space<vmem>>, vector<1x16xf32>,
    %get3A_196 = vector.shape_cast %get3A_195 : vector<1x16xf32> to vector<16xf32>
    %get3A_197 = arith.constant 1 : i32
    %get3A_198 = arith.index_cast %get3A_197 : i32 to index
    %get3A_199 = arith.constant 48 : index
    %get3A_200 = tpu.vector_load %arg7[%get3A_198, %get3A_199] {strides = array<i32>} : memref<10x128xf32, #tpu.memory_space<vmem>>, vector<1x16xf32>,
    %get3A_201 = vector.shape_cast %get3A_200 : vector<1x16xf32> to vector<16xf32>
    %add3A_202 = arith.addf %get3A_196, %get3A_201 : vector<16xf32>
    %get3A_203 = arith.constant 2 : i32
    %get3A_204 = arith.index_cast %get3A_203 : i32 to index
    %get3A_205 = arith.constant 48 : index
    %get3A_206 = tpu.vector_load %arg7[%get3A_204, %get3A_205] {strides = array<i32>} : memref<10x128xf32, #tpu.memory_space<vmem>>, vector<1x16xf32>,
    %get3A_207 = vector.shape_cast %get3A_206 : vector<1x16xf32> to vector<16xf32>
    %add3A_208 = arith.addf %add3A_202, %get3A_207 : vector<16xf32>
    %get3A_209 = arith.constant 3 : i32
    %get3A_210 = arith.index_cast %get3A_209 : i32 to index
    %get3A_211 = arith.constant 48 : index
    %get3A_212 = tpu.vector_load %arg7[%get3A_210, %get3A_211] {strides = array<i32>} : memref<10x128xf32, #tpu.memory_space<vmem>>, vector<1x16xf32>,
    %get3A_213 = vector.shape_cast %get3A_212 : vector<1x16xf32> to vector<16xf32>
    %add3A_214 = arith.addf %add3A_208, %get3A_213 : vector<16xf32>
    %get3A_215 = arith.constant 4 : i32
    %get3A_216 = arith.index_cast %get3A_215 : i32 to index
    %get3A_217 = arith.constant 48 : index
    %get3A_218 = tpu.vector_load %arg7[%get3A_216, %get3A_217] {strides = array<i32>} : memref<10x128xf32, #tpu.memory_space<vmem>>, vector<1x16xf32>,
    %get3A_219 = vector.shape_cast %get3A_218 : vector<1x16xf32> to vector<16xf32>
    %add3A_220 = arith.addf %add3A_214, %get3A_219 : vector<16xf32>
    %get3A_221 = arith.constant 5 : i32
    %get3A_222 = arith.index_cast %get3A_221 : i32 to index
    %get3A_223 = arith.constant 48 : index
    %get3A_224 = tpu.vector_load %arg7[%get3A_222, %get3A_223] {strides = array<i32>} : memref<10x128xf32, #tpu.memory_space<vmem>>, vector<1x16xf32>,
    %get3A_225 = vector.shape_cast %get3A_224 : vector<1x16xf32> to vector<16xf32>
    %add3A_226 = arith.addf %add3A_220, %get3A_225 : vector<16xf32>
    %get3A_227 = arith.constant 6 : i32
    %get3A_228 = arith.index_cast %get3A_227 : i32 to index
    %get3A_229 = arith.constant 48 : index
    %get3A_230 = tpu.vector_load %arg7[%get3A_228, %get3A_229] {strides = array<i32>} : memref<10x128xf32, #tpu.memory_space<vmem>>, vector<1x16xf32>,
    %get3A_231 = vector.shape_cast %get3A_230 : vector<1x16xf32> to vector<16xf32>
    %add3A_232 = arith.addf %add3A_226, %get3A_231 : vector<16xf32>
    %get3A_233 = arith.constant 7 : i32
    %get3A_234 = arith.index_cast %get3A_233 : i32 to index
    %get3A_235 = arith.constant 48 : index
    %get3A_236 = tpu.vector_load %arg7[%get3A_234, %get3A_235] {strides = array<i32>} : memref<10x128xf32, #tpu.memory_space<vmem>>, vector<1x16xf32>,
    %get3A_237 = vector.shape_cast %get3A_236 : vector<1x16xf32> to vector<16xf32>
    %add3A_238 = arith.addf %add3A_232, %get3A_237 : vector<16xf32>
    %get3A_239 = arith.constant 8 : i32
    %get3A_240 = arith.index_cast %get3A_239 : i32 to index
    %get3A_241 = arith.constant 48 : index
    %get3A_242 = tpu.vector_load %arg7[%get3A_240, %get3A_241] {strides = array<i32>} : memref<10x128xf32, #tpu.memory_space<vmem>>, vector<1x16xf32>,
    %get3A_243 = vector.shape_cast %get3A_242 : vector<1x16xf32> to vector<16xf32>
    %add3A_244 = arith.addf %add3A_238, %get3A_243 : vector<16xf32>
    %get3A_245 = arith.constant 9 : i32
    %get3A_246 = arith.index_cast %get3A_245 : i32 to index
    %get3A_247 = arith.constant 48 : index
    %get3A_248 = tpu.vector_load %arg7[%get3A_246, %get3A_247] {strides = array<i32>} : memref<10x128xf32, #tpu.memory_space<vmem>>, vector<1x16xf32>,
    %get3A_249 = vector.shape_cast %get3A_248 : vector<1x16xf32> to vector<16xf32>
    %add3A_250 = arith.addf %add3A_244, %get3A_249 : vector<16xf32>
    %swap3A_251 = arith.constant 0 : i32
    %swap3A_252 = arith.index_cast %swap3A_251 : i32 to index
    %swap3A_253 = arith.constant 48 : index
    %swap3A_254 = tpu.vector_load %arg8[%swap3A_252, %swap3A_253] {strides = array<i32>} : memref<1x128xf32, #tpu.memory_space<vmem>>, vector<1x16xf32>,
    %swap3A_255 = vector.shape_cast %swap3A_254 : vector<1x16xf32> to vector<16xf32>
    %swap3A_256 = vector.shape_cast %add3A_250 : vector<16xf32> to vector<1x16xf32>
    tpu.vector_store %arg8[%swap3A_252, %swap3A_253], %swap3A_256 {strides = array<i32>} : memref<1x128xf32, #tpu.memory_space<vmem>>, vector<1x16xf32>,
    %get3A_257 = arith.constant 0 : i32
    %get3A_258 = arith.index_cast %get3A_257 : i32 to index
    %get3A_259 = arith.constant 64 : index
    %get3A_260 = tpu.vector_load %arg7[%get3A_258, %get3A_259] {strides = array<i32>} : memref<10x128xf32, #tpu.memory_space<vmem>>, vector<1x16xf32>,
    %get3A_261 = vector.shape_cast %get3A_260 : vector<1x16xf32> to vector<16xf32>
    %get3A_262 = arith.constant 1 : i32
    %get3A_263 = arith.index_cast %get3A_262 : i32 to index
    %get3A_264 = arith.constant 64 : index
    %get3A_265 = tpu.vector_load %arg7[%get3A_263, %get3A_264] {strides = array<i32>} : memref<10x128xf32, #tpu.memory_space<vmem>>, vector<1x16xf32>,
    %get3A_266 = vector.shape_cast %get3A_265 : vector<1x16xf32> to vector<16xf32>
    %add3A_267 = arith.addf %get3A_261, %get3A_266 : vector<16xf32>
    %get3A_268 = arith.constant 2 : i32
    %get3A_269 = arith.index_cast %get3A_268 : i32 to index
    %get3A_270 = arith.constant 64 : index
    %get3A_271 = tpu.vector_load %arg7[%get3A_269, %get3A_270] {strides = array<i32>} : memref<10x128xf32, #tpu.memory_space<vmem>>, vector<1x16xf32>,
    %get3A_272 = vector.shape_cast %get3A_271 : vector<1x16xf32> to vector<16xf32>
    %add3A_273 = arith.addf %add3A_267, %get3A_272 : vector<16xf32>
    %get3A_274 = arith.constant 3 : i32
    %get3A_275 = arith.index_cast %get3A_274 : i32 to index
    %get3A_276 = arith.constant 64 : index
    %get3A_277 = tpu.vector_load %arg7[%get3A_275, %get3A_276] {strides = array<i32>} : memref<10x128xf32, #tpu.memory_space<vmem>>, vector<1x16xf32>,
    %get3A_278 = vector.shape_cast %get3A_277 : vector<1x16xf32> to vector<16xf32>
    %add3A_279 = arith.addf %add3A_273, %get3A_278 : vector<16xf32>
    %get3A_280 = arith.constant 4 : i32
    %get3A_281 = arith.index_cast %get3A_280 : i32 to index
    %get3A_282 = arith.constant 64 : index
    %get3A_283 = tpu.vector_load %arg7[%get3A_281, %get3A_282] {strides = array<i32>} : memref<10x128xf32, #tpu.memory_space<vmem>>, vector<1x16xf32>,
    %get3A_284 = vector.shape_cast %get3A_283 : vector<1x16xf32> to vector<16xf32>
    %add3A_285 = arith.addf %add3A_279, %get3A_284 : vector<16xf32>
    %get3A_286 = arith.constant 5 : i32
    %get3A_287 = arith.index_cast %get3A_286 : i32 to index
    %get3A_288 = arith.constant 64 : index
    %get3A_289 = tpu.vector_load %arg7[%get3A_287, %get3A_288] {strides = array<i32>} : memref<10x128xf32, #tpu.memory_space<vmem>>, vector<1x16xf32>,
    %get3A_290 = vector.shape_cast %get3A_289 : vector<1x16xf32> to vector<16xf32>
    %add3A_291 = arith.addf %add3A_285, %get3A_290 : vector<16xf32>
    %get3A_292 = arith.constant 6 : i32
    %get3A_293 = arith.index_cast %get3A_292 : i32 to index
    %get3A_294 = arith.constant 64 : index
    %get3A_295 = tpu.vector_load %arg7[%get3A_293, %get3A_294] {strides = array<i32>} : memref<10x128xf32, #tpu.memory_space<vmem>>, vector<1x16xf32>,
    %get3A_296 = vector.shape_cast %get3A_295 : vector<1x16xf32> to vector<16xf32>
    %add3A_297 = arith.addf %add3A_291, %get3A_296 : vector<16xf32>
    %get3A_298 = arith.constant 7 : i32
    %get3A_299 = arith.index_cast %get3A_298 : i32 to index
    %get3A_300 = arith.constant 64 : index
    %get3A_301 = tpu.vector_load %arg7[%get3A_299, %get3A_300] {strides = array<i32>} : memref<10x128xf32, #tpu.memory_space<vmem>>, vector<1x16xf32>,
    %get3A_302 = vector.shape_cast %get3A_301 : vector<1x16xf32> to vector<16xf32>
    %add3A_303 = arith.addf %add3A_297, %get3A_302 : vector<16xf32>
    %get3A_304 = arith.constant 8 : i32
    %get3A_305 = arith.index_cast %get3A_304 : i32 to index
    %get3A_306 = arith.constant 64 : index
    %get3A_307 = tpu.vector_load %arg7[%get3A_305, %get3A_306] {strides = array<i32>} : memref<10x128xf32, #tpu.memory_space<vmem>>, vector<1x16xf32>,
    %get3A_308 = vector.shape_cast %get3A_307 : vector<1x16xf32> to vector<16xf32>
    %add3A_309 = arith.addf %add3A_303, %get3A_308 : vector<16xf32>
    %get3A_310 = arith.constant 9 : i32
    %get3A_311 = arith.index_cast %get3A_310 : i32 to index
    %get3A_312 = arith.constant 64 : index
    %get3A_313 = tpu.vector_load %arg7[%get3A_311, %get3A_312] {strides = array<i32>} : memref<10x128xf32, #tpu.memory_space<vmem>>, vector<1x16xf32>,
    %get3A_314 = vector.shape_cast %get3A_313 : vector<1x16xf32> to vector<16xf32>
    %add3A_315 = arith.addf %add3A_309, %get3A_314 : vector<16xf32>
    %swap3A_316 = arith.constant 0 : i32
    %swap3A_317 = arith.index_cast %swap3A_316 : i32 to index
    %swap3A_318 = arith.constant 64 : index
    %swap3A_319 = tpu.vector_load %arg8[%swap3A_317, %swap3A_318] {strides = array<i32>} : memref<1x128xf32, #tpu.memory_space<vmem>>, vector<1x16xf32>,
    %swap3A_320 = vector.shape_cast %swap3A_319 : vector<1x16xf32> to vector<16xf32>
    %swap3A_321 = vector.shape_cast %add3A_315 : vector<16xf32> to vector<1x16xf32>
    tpu.vector_store %arg8[%swap3A_317, %swap3A_318], %swap3A_321 {strides = array<i32>} : memref<1x128xf32, #tpu.memory_space<vmem>>, vector<1x16xf32>,
    %get3A_322 = arith.constant 0 : i32
    %get3A_323 = arith.index_cast %get3A_322 : i32 to index
    %get3A_324 = arith.constant 80 : index
    %get3A_325 = tpu.vector_load %arg7[%get3A_323, %get3A_324] {strides = array<i32>} : memref<10x128xf32, #tpu.memory_space<vmem>>, vector<1x16xf32>,
    %get3A_326 = vector.shape_cast %get3A_325 : vector<1x16xf32> to vector<16xf32>
    %get3A_327 = arith.constant 1 : i32
    %get3A_328 = arith.index_cast %get3A_327 : i32 to index
    %get3A_329 = arith.constant 80 : index
    %get3A_330 = tpu.vector_load %arg7[%get3A_328, %get3A_329] {strides = array<i32>} : memref<10x128xf32, #tpu.memory_space<vmem>>, vector<1x16xf32>,
    %get3A_331 = vector.shape_cast %get3A_330 : vector<1x16xf32> to vector<16xf32>
    %add3A_332 = arith.addf %get3A_326, %get3A_331 : vector<16xf32>
    %get3A_333 = arith.constant 2 : i32
    %get3A_334 = arith.index_cast %get3A_333 : i32 to index
    %get3A_335 = arith.constant 80 : index
    %get3A_336 = tpu.vector_load %arg7[%get3A_334, %get3A_335] {strides = array<i32>} : memref<10x128xf32, #tpu.memory_space<vmem>>, vector<1x16xf32>,
    %get3A_337 = vector.shape_cast %get3A_336 : vector<1x16xf32> to vector<16xf32>
    %add3A_338 = arith.addf %add3A_332, %get3A_337 : vector<16xf32>
    %get3A_339 = arith.constant 3 : i32
    %get3A_340 = arith.index_cast %get3A_339 : i32 to index
    %get3A_341 = arith.constant 80 : index
    %get3A_342 = tpu.vector_load %arg7[%get3A_340, %get3A_341] {strides = array<i32>} : memref<10x128xf32, #tpu.memory_space<vmem>>, vector<1x16xf32>,
    %get3A_343 = vector.shape_cast %get3A_342 : vector<1x16xf32> to vector<16xf32>
    %add3A_344 = arith.addf %add3A_338, %get3A_343 : vector<16xf32>
    %get3A_345 = arith.constant 4 : i32
    %get3A_346 = arith.index_cast %get3A_345 : i32 to index
    %get3A_347 = arith.constant 80 : index
    %get3A_348 = tpu.vector_load %arg7[%get3A_346, %get3A_347] {strides = array<i32>} : memref<10x128xf32, #tpu.memory_space<vmem>>, vector<1x16xf32>,
    %get3A_349 = vector.shape_cast %get3A_348 : vector<1x16xf32> to vector<16xf32>
    %add3A_350 = arith.addf %add3A_344, %get3A_349 : vector<16xf32>
    %get3A_351 = arith.constant 5 : i32
    %get3A_352 = arith.index_cast %get3A_351 : i32 to index
    %get3A_353 = arith.constant 80 : index
    %get3A_354 = tpu.vector_load %arg7[%get3A_352, %get3A_353] {strides = array<i32>} : memref<10x128xf32, #tpu.memory_space<vmem>>, vector<1x16xf32>,
    %get3A_355 = vector.shape_cast %get3A_354 : vector<1x16xf32> to vector<16xf32>
    %add3A_356 = arith.addf %add3A_350, %get3A_355 : vector<16xf32>
    %get3A_357 = arith.constant 6 : i32
    %get3A_358 = arith.index_cast %get3A_357 : i32 to index
    %get3A_359 = arith.constant 80 : index
    %get3A_360 = tpu.vector_load %arg7[%get3A_358, %get3A_359] {strides = array<i32>} : memref<10x128xf32, #tpu.memory_space<vmem>>, vector<1x16xf32>,
    %get3A_361 = vector.shape_cast %get3A_360 : vector<1x16xf32> to vector<16xf32>
    %add3A_362 = arith.addf %add3A_356, %get3A_361 : vector<16xf32>
    %get3A_363 = arith.constant 7 : i32
    %get3A_364 = arith.index_cast %get3A_363 : i32 to index
    %get3A_365 = arith.constant 80 : index
    %get3A_366 = tpu.vector_load %arg7[%get3A_364, %get3A_365] {strides = array<i32>} : memref<10x128xf32, #tpu.memory_space<vmem>>, vector<1x16xf32>,
    %get3A_367 = vector.shape_cast %get3A_366 : vector<1x16xf32> to vector<16xf32>
    %add3A_368 = arith.addf %add3A_362, %get3A_367 : vector<16xf32>
    %get3A_369 = arith.constant 8 : i32
    %get3A_370 = arith.index_cast %get3A_369 : i32 to index
    %get3A_371 = arith.constant 80 : index
    %get3A_372 = tpu.vector_load %arg7[%get3A_370, %get3A_371] {strides = array<i32>} : memref<10x128xf32, #tpu.memory_space<vmem>>, vector<1x16xf32>,
    %get3A_373 = vector.shape_cast %get3A_372 : vector<1x16xf32> to vector<16xf32>
    %add3A_374 = arith.addf %add3A_368, %get3A_373 : vector<16xf32>
    %get3A_375 = arith.constant 9 : i32
    %get3A_376 = arith.index_cast %get3A_375 : i32 to index
    %get3A_377 = arith.constant 80 : index
    %get3A_378 = tpu.vector_load %arg7[%get3A_376, %get3A_377] {strides = array<i32>} : memref<10x128xf32, #tpu.memory_space<vmem>>, vector<1x16xf32>,
    %get3A_379 = vector.shape_cast %get3A_378 : vector<1x16xf32> to vector<16xf32>
    %add3A_380 = arith.addf %add3A_374, %get3A_379 : vector<16xf32>
    %swap3A_381 = arith.constant 0 : i32
    %swap3A_382 = arith.index_cast %swap3A_381 : i32 to index
    %swap3A_383 = arith.constant 80 : index
    %swap3A_384 = tpu.vector_load %arg8[%swap3A_382, %swap3A_383] {strides = array<i32>} : memref<1x128xf32, #tpu.memory_space<vmem>>, vector<1x16xf32>,
    %swap3A_385 = vector.shape_cast %swap3A_384 : vector<1x16xf32> to vector<16xf32>
    %swap3A_386 = vector.shape_cast %add3A_380 : vector<16xf32> to vector<1x16xf32>
    tpu.vector_store %arg8[%swap3A_382, %swap3A_383], %swap3A_386 {strides = array<i32>} : memref<1x128xf32, #tpu.memory_space<vmem>>, vector<1x16xf32>,
    %get3A_387 = arith.constant 0 : i32
    %get3A_388 = arith.index_cast %get3A_387 : i32 to index
    %get3A_389 = arith.constant 96 : index
    %get3A_390 = tpu.vector_load %arg7[%get3A_388, %get3A_389] {strides = array<i32>} : memref<10x128xf32, #tpu.memory_space<vmem>>, vector<1x16xf32>,
    %get3A_391 = vector.shape_cast %get3A_390 : vector<1x16xf32> to vector<16xf32>
    %get3A_392 = arith.constant 1 : i32
    %get3A_393 = arith.index_cast %get3A_392 : i32 to index
    %get3A_394 = arith.constant 96 : index
    %get3A_395 = tpu.vector_load %arg7[%get3A_393, %get3A_394] {strides = array<i32>} : memref<10x128xf32, #tpu.memory_space<vmem>>, vector<1x16xf32>,
    %get3A_396 = vector.shape_cast %get3A_395 : vector<1x16xf32> to vector<16xf32>
    %add3A_397 = arith.addf %get3A_391, %get3A_396 : vector<16xf32>
    %get3A_398 = arith.constant 2 : i32
    %get3A_399 = arith.index_cast %get3A_398 : i32 to index
    %get3A_400 = arith.constant 96 : index
    %get3A_401 = tpu.vector_load %arg7[%get3A_399, %get3A_400] {strides = array<i32>} : memref<10x128xf32, #tpu.memory_space<vmem>>, vector<1x16xf32>,
    %get3A_402 = vector.shape_cast %get3A_401 : vector<1x16xf32> to vector<16xf32>
    %add3A_403 = arith.addf %add3A_397, %get3A_402 : vector<16xf32>
    %get3A_404 = arith.constant 3 : i32
    %get3A_405 = arith.index_cast %get3A_404 : i32 to index
    %get3A_406 = arith.constant 96 : index
    %get3A_407 = tpu.vector_load %arg7[%get3A_405, %get3A_406] {strides = array<i32>} : memref<10x128xf32, #tpu.memory_space<vmem>>, vector<1x16xf32>,
    %get3A_408 = vector.shape_cast %get3A_407 : vector<1x16xf32> to vector<16xf32>
    %add3A_409 = arith.addf %add3A_403, %get3A_408 : vector<16xf32>
    %get3A_410 = arith.constant 4 : i32
    %get3A_411 = arith.index_cast %get3A_410 : i32 to index
    %get3A_412 = arith.constant 96 : index
    %get3A_413 = tpu.vector_load %arg7[%get3A_411, %get3A_412] {strides = array<i32>} : memref<10x128xf32, #tpu.memory_space<vmem>>, vector<1x16xf32>,
    %get3A_414 = vector.shape_cast %get3A_413 : vector<1x16xf32> to vector<16xf32>
    %add3A_415 = arith.addf %add3A_409, %get3A_414 : vector<16xf32>
    %get3A_416 = arith.constant 5 : i32
    %get3A_417 = arith.index_cast %get3A_416 : i32 to index
    %get3A_418 = arith.constant 96 : index
    %get3A_419 = tpu.vector_load %arg7[%get3A_417, %get3A_418] {strides = array<i32>} : memref<10x128xf32, #tpu.memory_space<vmem>>, vector<1x16xf32>,
    %get3A_420 = vector.shape_cast %get3A_419 : vector<1x16xf32> to vector<16xf32>
    %add3A_421 = arith.addf %add3A_415, %get3A_420 : vector<16xf32>
    %get3A_422 = arith.constant 6 : i32
    %get3A_423 = arith.index_cast %get3A_422 : i32 to index
    %get3A_424 = arith.constant 96 : index
    %get3A_425 = tpu.vector_load %arg7[%get3A_423, %get3A_424] {strides = array<i32>} : memref<10x128xf32, #tpu.memory_space<vmem>>, vector<1x16xf32>,
    %get3A_426 = vector.shape_cast %get3A_425 : vector<1x16xf32> to vector<16xf32>
    %add3A_427 = arith.addf %add3A_421, %get3A_426 : vector<16xf32>
    %get3A_428 = arith.constant 7 : i32
    %get3A_429 = arith.index_cast %get3A_428 : i32 to index
    %get3A_430 = arith.constant 96 : index
    %get3A_431 = tpu.vector_load %arg7[%get3A_429, %get3A_430] {strides = array<i32>} : memref<10x128xf32, #tpu.memory_space<vmem>>, vector<1x16xf32>,
    %get3A_432 = vector.shape_cast %get3A_431 : vector<1x16xf32> to vector<16xf32>
    %add3A_433 = arith.addf %add3A_427, %get3A_432 : vector<16xf32>
    %get3A_434 = arith.constant 8 : i32
    %get3A_435 = arith.index_cast %get3A_434 : i32 to index
    %get3A_436 = arith.constant 96 : index
    %get3A_437 = tpu.vector_load %arg7[%get3A_435, %get3A_436] {strides = array<i32>} : memref<10x128xf32, #tpu.memory_space<vmem>>, vector<1x16xf32>,
    %get3A_438 = vector.shape_cast %get3A_437 : vector<1x16xf32> to vector<16xf32>
    %add3A_439 = arith.addf %add3A_433, %get3A_438 : vector<16xf32>
    %get3A_440 = arith.constant 9 : i32
    %get3A_441 = arith.index_cast %get3A_440 : i32 to index
    %get3A_442 = arith.constant 96 : index
    %get3A_443 = tpu.vector_load %arg7[%get3A_441, %get3A_442] {strides = array<i32>} : memref<10x128xf32, #tpu.memory_space<vmem>>, vector<1x16xf32>,
    %get3A_444 = vector.shape_cast %get3A_443 : vector<1x16xf32> to vector<16xf32>
    %add3A_445 = arith.addf %add3A_439, %get3A_444 : vector<16xf32>
    %swap3A_446 = arith.constant 0 : i32
    %swap3A_447 = arith.index_cast %swap3A_446 : i32 to index
    %swap3A_448 = arith.constant 96 : index
    %swap3A_449 = tpu.vector_load %arg8[%swap3A_447, %swap3A_448] {strides = array<i32>} : memref<1x128xf32, #tpu.memory_space<vmem>>, vector<1x16xf32>,
    %swap3A_450 = vector.shape_cast %swap3A_449 : vector<1x16xf32> to vector<16xf32>
    %swap3A_451 = vector.shape_cast %add3A_445 : vector<16xf32> to vector<1x16xf32>
    tpu.vector_store %arg8[%swap3A_447, %swap3A_448], %swap3A_451 {strides = array<i32>} : memref<1x128xf32, #tpu.memory_space<vmem>>, vector<1x16xf32>,
    %get3A_452 = arith.constant 0 : i32
    %get3A_453 = arith.index_cast %get3A_452 : i32 to index
    %get3A_454 = arith.constant 112 : index
    %get3A_455 = tpu.vector_load %arg7[%get3A_453, %get3A_454] {strides = array<i32>} : memref<10x128xf32, #tpu.memory_space<vmem>>, vector<1x16xf32>,
    %get3A_456 = vector.shape_cast %get3A_455 : vector<1x16xf32> to vector<16xf32>
    %get3A_457 = arith.constant 1 : i32
    %get3A_458 = arith.index_cast %get3A_457 : i32 to index
    %get3A_459 = arith.constant 112 : index
    %get3A_460 = tpu.vector_load %arg7[%get3A_458, %get3A_459] {strides = array<i32>} : memref<10x128xf32, #tpu.memory_space<vmem>>, vector<1x16xf32>,
    %get3A_461 = vector.shape_cast %get3A_460 : vector<1x16xf32> to vector<16xf32>
    %add3A_462 = arith.addf %get3A_456, %get3A_461 : vector<16xf32>
    %get3A_463 = arith.constant 2 : i32
    %get3A_464 = arith.index_cast %get3A_463 : i32 to index
    %get3A_465 = arith.constant 112 : index
    %get3A_466 = tpu.vector_load %arg7[%get3A_464, %get3A_465] {strides = array<i32>} : memref<10x128xf32, #tpu.memory_space<vmem>>, vector<1x16xf32>,
    %get3A_467 = vector.shape_cast %get3A_466 : vector<1x16xf32> to vector<16xf32>
    %add3A_468 = arith.addf %add3A_462, %get3A_467 : vector<16xf32>
    %get3A_469 = arith.constant 3 : i32
    %get3A_470 = arith.index_cast %get3A_469 : i32 to index
    %get3A_471 = arith.constant 112 : index
    %get3A_472 = tpu.vector_load %arg7[%get3A_470, %get3A_471] {strides = array<i32>} : memref<10x128xf32, #tpu.memory_space<vmem>>, vector<1x16xf32>,
    %get3A_473 = vector.shape_cast %get3A_472 : vector<1x16xf32> to vector<16xf32>
    %add3A_474 = arith.addf %add3A_468, %get3A_473 : vector<16xf32>
    %get3A_475 = arith.constant 4 : i32
    %get3A_476 = arith.index_cast %get3A_475 : i32 to index
    %get3A_477 = arith.constant 112 : index
    %get3A_478 = tpu.vector_load %arg7[%get3A_476, %get3A_477] {strides = array<i32>} : memref<10x128xf32, #tpu.memory_space<vmem>>, vector<1x16xf32>,
    %get3A_479 = vector.shape_cast %get3A_478 : vector<1x16xf32> to vector<16xf32>
    %add3A_480 = arith.addf %add3A_474, %get3A_479 : vector<16xf32>
    %get3A_481 = arith.constant 5 : i32
    %get3A_482 = arith.index_cast %get3A_481 : i32 to index
    %get3A_483 = arith.constant 112 : index
    %get3A_484 = tpu.vector_load %arg7[%get3A_482, %get3A_483] {strides = array<i32>} : memref<10x128xf32, #tpu.memory_space<vmem>>, vector<1x16xf32>,
    %get3A_485 = vector.shape_cast %get3A_484 : vector<1x16xf32> to vector<16xf32>
    %add3A_486 = arith.addf %add3A_480, %get3A_485 : vector<16xf32>
    %get3A_487 = arith.constant 6 : i32
    %get3A_488 = arith.index_cast %get3A_487 : i32 to index
    %get3A_489 = arith.constant 112 : index
    %get3A_490 = tpu.vector_load %arg7[%get3A_488, %get3A_489] {strides = array<i32>} : memref<10x128xf32, #tpu.memory_space<vmem>>, vector<1x16xf32>,
    %get3A_491 = vector.shape_cast %get3A_490 : vector<1x16xf32> to vector<16xf32>
    %add3A_492 = arith.addf %add3A_486, %get3A_491 : vector<16xf32>
    %get3A_493 = arith.constant 7 : i32
    %get3A_494 = arith.index_cast %get3A_493 : i32 to index
    %get3A_495 = arith.constant 112 : index
    %get3A_496 = tpu.vector_load %arg7[%get3A_494, %get3A_495] {strides = array<i32>} : memref<10x128xf32, #tpu.memory_space<vmem>>, vector<1x16xf32>,
    %get3A_497 = vector.shape_cast %get3A_496 : vector<1x16xf32> to vector<16xf32>
    %add3A_498 = arith.addf %add3A_492, %get3A_497 : vector<16xf32>
    %get3A_499 = arith.constant 8 : i32
    %get3A_500 = arith.index_cast %get3A_499 : i32 to index
    %get3A_501 = arith.constant 112 : index
    %get3A_502 = tpu.vector_load %arg7[%get3A_500, %get3A_501] {strides = array<i32>} : memref<10x128xf32, #tpu.memory_space<vmem>>, vector<1x16xf32>,
    %get3A_503 = vector.shape_cast %get3A_502 : vector<1x16xf32> to vector<16xf32>
    %add3A_504 = arith.addf %add3A_498, %get3A_503 : vector<16xf32>
    %get3A_505 = arith.constant 9 : i32
    %get3A_506 = arith.index_cast %get3A_505 : i32 to index
    %get3A_507 = arith.constant 112 : index
    %get3A_508 = tpu.vector_load %arg7[%get3A_506, %get3A_507] {strides = array<i32>} : memref<10x128xf32, #tpu.memory_space<vmem>>, vector<1x16xf32>,
    %get3A_509 = vector.shape_cast %get3A_508 : vector<1x16xf32> to vector<16xf32>
    %add3A_510 = arith.addf %add3A_504, %get3A_509 : vector<16xf32>
    %swap3A_511 = arith.constant 0 : i32
    %swap3A_512 = arith.index_cast %swap3A_511 : i32 to index
    %swap3A_513 = arith.constant 112 : index
    %swap3A_514 = tpu.vector_load %arg8[%swap3A_512, %swap3A_513] {strides = array<i32>} : memref<1x128xf32, #tpu.memory_space<vmem>>, vector<1x16xf32>,
    %swap3A_515 = vector.shape_cast %swap3A_514 : vector<1x16xf32> to vector<16xf32>
    %swap3A_516 = vector.shape_cast %add3A_510 : vector<16xf32> to vector<1x16xf32>
    tpu.vector_store %arg8[%swap3A_512, %swap3A_513], %swap3A_516 {strides = array<i32>} : memref<1x128xf32, #tpu.memory_space<vmem>>, vector<1x16xf32>,
    %mul3A = arith.constant 1 : i32
    %mul3A_517 = arith.muli %arg1, %mul3A : i32
    %add3A_518 = arith.constant 0 : i32
    %add3A_519 = arith.addi %add3A_518, %mul3A_517 : i32
    %mul3A_520 = arith.constant 16 : i32
    %mul3A_521 = arith.muli %arg0, %mul3A_520 : i32
    %add3A_522 = arith.addi %add3A_519, %mul3A_521 : i32
    %mul3A_523 = arith.constant 64 : i32
    %mul3A_524 = arith.muli %add3A_522, %mul3A_523 : i32
    "tpu.region"() ({
      %run_scoped3A = memref.alloca() : memref<2x1x100xi32, #tpu.memory_space<vmem>>
      %run_scoped3A_525 = tpu.sem_alloc : memref<2x!tpu.dma_semaphore, #tpu.memory_space<semaphore_mem>>
      %run_scoped3A_526 = memref.alloca() : memref<2x2x128xf32, #tpu.memory_space<vmem>>
      %run_scoped3A_527 = tpu.sem_alloc : memref<2x!tpu.dma_semaphore, #tpu.memory_space<semaphore_mem>>
      %add3A_528 = arith.constant 0 : i32
      %add3A_529 = arith.addi %add3A_528, %mul3A_524 : i32
      %select_n3A = arith.constant true
      %select_n3A_530 = arith.constant 0 : i32
      %select_n3A_531 = arith.constant -1 : i32
      %select_n3A_532 = arith.select %select_n3A, %select_n3A_531, %select_n3A_530 : i32
      %eq3A = arith.constant -1 : i32
      %eq3A_533 = arith.cmpi eq, %select_n3A_532, %eq3A : i32
      %select_n3A_534 = arith.constant 63 : i32
      %select_n3A_535 = arith.select %eq3A_533, %select_n3A_534, %select_n3A_532 : i32
      %add3A_536 = arith.addi %select_n3A_535, %mul3A_524 : i32
      %select_n3A_537 = arith.constant true
      %select_n3A_538 = arith.constant 0 : i32
      %select_n3A_539 = arith.constant 1 : i32
      %select_n3A_540 = arith.select %select_n3A_537, %select_n3A_539, %select_n3A_538 : i32
      %eq3A_541 = arith.constant 64 : i32
      %eq3A_542 = arith.cmpi eq, %select_n3A_540, %eq3A_541 : i32
      %select_n3A_543 = arith.constant 0 : i32
      %select_n3A_544 = arith.select %eq3A_542, %select_n3A_543, %select_n3A_540 : i32
      %add3A_545 = arith.addi %select_n3A_544, %mul3A_524 : i32
      %add3A_546 = arith.constant 1 : i32
      %add3A_547 = arith.addi %select_n3A_544, %add3A_546 : i32
      %select_n3A_548 = arith.constant true
      %select_n3A_549 = arith.select %select_n3A_548, %add3A_547, %select_n3A_544 : i32
      %eq3A_550 = arith.constant 64 : i32
      %eq3A_551 = arith.cmpi eq, %select_n3A_549, %eq3A_550 : i32
      %select_n3A_552 = arith.constant 0 : i32
      %select_n3A_553 = arith.select %eq3A_551, %select_n3A_552, %select_n3A_549 : i32
      %add3A_554 = arith.addi %select_n3A_553, %mul3A_524 : i32
      "tpu.trace_start"() <{level = 10 : i32, message = "ep_initialize_0"}> : () -> ()
      %rem3A = arith.constant 0 : i32
      %rem3A_555 = arith.constant 2 : i32
      %rem3A_556 = arith.remui %rem3A, %rem3A_555 : i32
      %mul3A_557 = arith.constant 1 : i32
      %mul3A_558 = arith.muli %mul3A_557, %add3A_529 : i32
      %dma_start3A = arith.constant 0 : i32
      %dma_start3A_559 = arith.constant 0 : i32
      %dma_start3A_560 = tpu.memref_slice %run_scoped3A[%rem3A_556, %dma_start3A, %dma_start3A_559] : memref<2x1x100xi32, #tpu.memory_space<vmem>> -> memref<1x1x100xi32, #tpu.memory_space<vmem>>
      %dma_start3A_561 = tpu.memref_squeeze %dma_start3A_560 : memref<1x1x100xi32, #tpu.memory_space<vmem>> -> memref<1x100xi32, #tpu.memory_space<vmem>>
      %dma_start3A_562 = arith.constant 0 : i32
      %dma_start3A_563 = tpu.memref_slice %arg2[%mul3A_558, %dma_start3A_562] : memref<2048x100xi32, #tpu.memory_space<hbm>> -> memref<1x100xi32, #tpu.memory_space<hbm>>
      %dma_start3A_564 = tpu.memref_slice %run_scoped3A_525[%rem3A_556] : memref<2x!tpu.dma_semaphore, #tpu.memory_space<semaphore_mem>> -> memref<1x!tpu.dma_semaphore, #tpu.memory_space<semaphore_mem>>
      %dma_start3A_565 = tpu.memref_squeeze %dma_start3A_564 : memref<1x!tpu.dma_semaphore, #tpu.memory_space<semaphore_mem>> -> memref<!tpu.dma_semaphore, #tpu.memory_space<semaphore_mem>>
      %dma_start3A_566 = arith.constant 0 : i32
      %dma_start3A_567 = arith.constant 0 : i32
      %dma_start3A_568 = tpu.memref_slice %run_scoped3A[%rem3A_556, %dma_start3A_566, %dma_start3A_567] : memref<2x1x100xi32, #tpu.memory_space<vmem>> -> memref<1x1x100xi32, #tpu.memory_space<vmem>>
      %dma_start3A_569 = tpu.memref_squeeze %dma_start3A_568 : memref<1x1x100xi32, #tpu.memory_space<vmem>> -> memref<1x100xi32, #tpu.memory_space<vmem>>
      %dma_start3A_570 = arith.constant 0 : i32
      %dma_start3A_571 = tpu.memref_slice %arg2[%mul3A_558, %dma_start3A_570] : memref<2048x100xi32, #tpu.memory_space<hbm>> -> memref<1x100xi32, #tpu.memory_space<hbm>>
      tpu.enqueue_dma source(%dma_start3A_571 : memref<1x100xi32, #tpu.memory_space<hbm>>) target(%dma_start3A_569 : memref<1x100xi32, #tpu.memory_space<vmem>>) target_semaphore(%dma_start3A_565 : memref<!tpu.dma_semaphore, #tpu.memory_space<semaphore_mem>>)
      %add3A_572 = arith.constant 0 : i32
      %add3A_573 = arith.constant 1 : i32
      %add3A_574 = arith.addi %add3A_572, %add3A_573 : i32
      %select_n3A_575 = arith.constant true
      %select_n3A_576 = arith.constant 0 : i32
      %select_n3A_577 = arith.select %select_n3A_575, %add3A_574, %select_n3A_576 : i32
      "tpu.trace_stop"() : () -> ()
      %scan3A = arith.constant 0 : i32
      %scan3A_578 = arith.constant 0 : i32
      %scan3A_579 = arith.constant 0 : i32
      %scan3A_580 = arith.constant 0 : i32
      %scan3A_581 = arith.constant 0 : i32
      %scan3A_582 = arith.constant 64 : i32
      %scan3A_583 = arith.addi %scan3A_581, %scan3A_582 : i32
      %scan3A_584 = arith.constant 1 : i32
      %scan3A_585:5 = scf.for %scan3A_639 = %scan3A_581 to %scan3A_583 step %scan3A_584 iter_args(%scan3A_640 = %select_n3A_577, %scan3A_641 = %scan3A, %scan3A_642 = %scan3A_578, %scan3A_643 = %scan3A_579, %scan3A_644 = %scan3A_580) -> (i32, i32, i32, i32, i32)  : i32 {
        %eq3A_645 = arith.constant 0 : i32
        %eq3A_646 = arith.cmpi eq, %scan3A_639, %eq3A_645 : i32
        %eq3A_647 = arith.constant 63 : i32
        %eq3A_648 = arith.cmpi eq, %scan3A_639, %eq3A_647 : i32
        %add3A_649 = arith.addi %scan3A_644, %mul3A_524 : i32
        %sub3A_650 = arith.constant 1 : i32
        %sub3A_651 = arith.subi %scan3A_644, %sub3A_650 : i32
        %select_n3A_652 = arith.constant true
        %select_n3A_653 = arith.select %select_n3A_652, %sub3A_651, %scan3A_644 : i32
        %eq3A_654 = arith.constant -1 : i32
        %eq3A_655 = arith.cmpi eq, %select_n3A_653, %eq3A_654 : i32
        %select_n3A_656 = arith.constant 63 : i32
        %select_n3A_657 = arith.select %eq3A_655, %select_n3A_656, %select_n3A_653 : i32
        %add3A_658 = arith.addi %select_n3A_657, %mul3A_524 : i32
        %add3A_659 = arith.constant 1 : i32
        %add3A_660 = arith.addi %scan3A_644, %add3A_659 : i32
        %select_n3A_661 = arith.constant true
        %select_n3A_662 = arith.select %select_n3A_661, %add3A_660, %scan3A_644 : i32
        %eq3A_663 = arith.constant 64 : i32
        %eq3A_664 = arith.cmpi eq, %select_n3A_662, %eq3A_663 : i32
        %select_n3A_665 = arith.constant 0 : i32
        %select_n3A_666 = arith.select %eq3A_664, %select_n3A_665, %select_n3A_662 : i32
        %add3A_667 = arith.addi %select_n3A_666, %mul3A_524 : i32
        %add3A_668 = arith.constant 1 : i32
        %add3A_669 = arith.addi %select_n3A_666, %add3A_668 : i32
        %select_n3A_670 = arith.constant true
        %select_n3A_671 = arith.select %select_n3A_670, %add3A_669, %select_n3A_666 : i32
        %eq3A_672 = arith.constant 64 : i32
        %eq3A_673 = arith.cmpi eq, %select_n3A_671, %eq3A_672 : i32
        %select_n3A_674 = arith.constant 0 : i32
        %select_n3A_675 = arith.select %eq3A_673, %select_n3A_674, %select_n3A_671 : i32
        %add3A_676 = arith.addi %select_n3A_675, %mul3A_524 : i32
        %ne3A = arith.cmpi ne, %add3A_649, %add3A_667 : i32
        %or3A = arith.constant false
        %or3A_677 = arith.ori %or3A, %ne3A : i1
        %or3A_678 = arith.constant false
        %or3A_679 = arith.ori %or3A_677, %or3A_678 : i1
        %ge3A = arith.constant 63 : i32
        %ge3A_680 = arith.cmpi sge, %scan3A_639, %ge3A : i32
        %not3A = arith.constant true
        %not3A_681 = arith.xori %ge3A_680, %not3A : i1
        %and3A = arith.andi %or3A_679, %not3A_681 : i1
        %convert_element_type3A = arith.extui %and3A : i1 to i32
        %cond3A = arith.constant 0 : i32
        %cond3A_682 = arith.cmpi ne, %convert_element_type3A, %cond3A : i32
        scf.if %cond3A_682 {
          "tpu.trace_start"() <{level = 10 : i32, message = "ep_copy_in"}> : () -> ()
          %rem3A_1092 = arith.constant 2 : i32
          %rem3A_1093 = arith.remui %scan3A_640, %rem3A_1092 : i32
          %mul3A_1094 = arith.constant 1 : i32
          %mul3A_1095 = arith.muli %mul3A_1094, %add3A_667 : i32
          %dma_start3A_1096 = arith.constant 0 : i32
          %dma_start3A_1097 = arith.constant 0 : i32
          %dma_start3A_1098 = tpu.memref_slice %run_scoped3A[%rem3A_1093, %dma_start3A_1096, %dma_start3A_1097] : memref<2x1x100xi32, #tpu.memory_space<vmem>> -> memref<1x1x100xi32, #tpu.memory_space<vmem>>
          %dma_start3A_1099 = tpu.memref_squeeze %dma_start3A_1098 : memref<1x1x100xi32, #tpu.memory_space<vmem>> -> memref<1x100xi32, #tpu.memory_space<vmem>>
          %dma_start3A_1100 = arith.constant 0 : i32
          %dma_start3A_1101 = tpu.memref_slice %arg2[%mul3A_1095, %dma_start3A_1100] : memref<2048x100xi32, #tpu.memory_space<hbm>> -> memref<1x100xi32, #tpu.memory_space<hbm>>
          %dma_start3A_1102 = tpu.memref_slice %run_scoped3A_525[%rem3A_1093] : memref<2x!tpu.dma_semaphore, #tpu.memory_space<semaphore_mem>> -> memref<1x!tpu.dma_semaphore, #tpu.memory_space<semaphore_mem>>
          %dma_start3A_1103 = tpu.memref_squeeze %dma_start3A_1102 : memref<1x!tpu.dma_semaphore, #tpu.memory_space<semaphore_mem>> -> memref<!tpu.dma_semaphore, #tpu.memory_space<semaphore_mem>>
          %dma_start3A_1104 = arith.constant 0 : i32
          %dma_start3A_1105 = arith.constant 0 : i32
          %dma_start3A_1106 = tpu.memref_slice %run_scoped3A[%rem3A_1093, %dma_start3A_1104, %dma_start3A_1105] : memref<2x1x100xi32, #tpu.memory_space<vmem>> -> memref<1x1x100xi32, #tpu.memory_space<vmem>>
          %dma_start3A_1107 = tpu.memref_squeeze %dma_start3A_1106 : memref<1x1x100xi32, #tpu.memory_space<vmem>> -> memref<1x100xi32, #tpu.memory_space<vmem>>
          %dma_start3A_1108 = arith.constant 0 : i32
          %dma_start3A_1109 = tpu.memref_slice %arg2[%mul3A_1095, %dma_start3A_1108] : memref<2048x100xi32, #tpu.memory_space<hbm>> -> memref<1x100xi32, #tpu.memory_space<hbm>>
          tpu.enqueue_dma source(%dma_start3A_1109 : memref<1x100xi32, #tpu.memory_space<hbm>>) target(%dma_start3A_1107 : memref<1x100xi32, #tpu.memory_space<vmem>>) target_semaphore(%dma_start3A_1103 : memref<!tpu.dma_semaphore, #tpu.memory_space<semaphore_mem>>)
          "tpu.trace_stop"() : () -> ()
        } else {
        }
        %and3A_683 = arith.constant true
        %and3A_684 = arith.andi %and3A, %and3A_683 : i1
        %add3A_685 = arith.constant 1 : i32
        %add3A_686 = arith.addi %scan3A_640, %add3A_685 : i32
        %select_n3A_687 = arith.select %and3A_684, %add3A_686, %scan3A_640 : i32
        %ne3A_688 = arith.cmpi ne, %add3A_649, %add3A_667 : i32
        %or3A_689 = arith.constant false
        %or3A_690 = arith.ori %or3A_689, %ne3A_688 : i1
        %or3A_691 = arith.constant false
        %or3A_692 = arith.ori %or3A_690, %or3A_691 : i1
        %ge3A_693 = arith.constant 63 : i32
        %ge3A_694 = arith.cmpi sge, %scan3A_639, %ge3A_693 : i32
        %not3A_695 = arith.constant true
        %not3A_696 = arith.xori %ge3A_694, %not3A_695 : i1
        %and3A_697 = arith.andi %or3A_692, %not3A_696 : i1
        %ne3A_698 = arith.cmpi ne, %add3A_649, %add3A_658 : i32
        %or3A_699 = arith.constant false
        %or3A_700 = arith.ori %or3A_699, %ne3A_698 : i1
        %or3A_701 = arith.constant false
        %or3A_702 = arith.ori %or3A_700, %or3A_701 : i1
        %or3A_703 = arith.ori %or3A_702, %eq3A_646 : i1
        %convert_element_type3A_704 = arith.extui %or3A_703 : i1 to i32
        %cond3A_705 = arith.constant 0 : i32
        %cond3A_706 = arith.cmpi ne, %convert_element_type3A_704, %cond3A_705 : i32
        scf.if %cond3A_706 {
          "tpu.trace_start"() <{level = 10 : i32, message = "ep_wait_in"}> : () -> ()
          %mul3A_1092 = arith.constant 1 : i32
          %mul3A_1093 = arith.muli %mul3A_1092, %add3A_649 : i32
          %rem3A_1094 = arith.constant 2 : i32
          %rem3A_1095 = arith.remui %scan3A_641, %rem3A_1094 : i32
          %dma_wait3A_1096 = arith.constant 0 : i32
          %dma_wait3A_1097 = arith.constant 0 : i32
          %dma_wait3A_1098 = tpu.memref_slice %run_scoped3A[%rem3A_1095, %dma_wait3A_1096, %dma_wait3A_1097] : memref<2x1x100xi32, #tpu.memory_space<vmem>> -> memref<1x1x100xi32, #tpu.memory_space<vmem>>
          %dma_wait3A_1099 = tpu.memref_squeeze %dma_wait3A_1098 : memref<1x1x100xi32, #tpu.memory_space<vmem>> -> memref<1x100xi32, #tpu.memory_space<vmem>>
          %dma_wait3A_1100 = arith.constant 0 : i32
          %dma_wait3A_1101 = tpu.memref_slice %arg2[%mul3A_1093, %dma_wait3A_1100] : memref<2048x100xi32, #tpu.memory_space<hbm>> -> memref<1x100xi32, #tpu.memory_space<hbm>>
          %dma_wait3A_1102 = tpu.memref_slice %run_scoped3A_525[%rem3A_1095] : memref<2x!tpu.dma_semaphore, #tpu.memory_space<semaphore_mem>> -> memref<1x!tpu.dma_semaphore, #tpu.memory_space<semaphore_mem>>
          %dma_wait3A_1103 = tpu.memref_squeeze %dma_wait3A_1102 : memref<1x!tpu.dma_semaphore, #tpu.memory_space<semaphore_mem>> -> memref<!tpu.dma_semaphore, #tpu.memory_space<semaphore_mem>>
          %dma_wait3A_1104 = arith.constant 0 : i32
          %dma_wait3A_1105 = arith.constant 0 : i32
          %dma_wait3A_1106 = tpu.memref_slice %run_scoped3A[%rem3A_1095, %dma_wait3A_1104, %dma_wait3A_1105] : memref<2x1x100xi32, #tpu.memory_space<vmem>> -> memref<1x1x100xi32, #tpu.memory_space<vmem>>
          %dma_wait3A_1107 = tpu.memref_squeeze %dma_wait3A_1106 : memref<1x1x100xi32, #tpu.memory_space<vmem>> -> memref<1x100xi32, #tpu.memory_space<vmem>>
          %dma_wait3A_1108 = arith.constant 0 : i32
          %dma_wait3A_1109 = tpu.memref_slice %arg2[%mul3A_1093, %dma_wait3A_1108] : memref<2048x100xi32, #tpu.memory_space<hbm>> -> memref<1x100xi32, #tpu.memory_space<hbm>>
          tpu.wait_dma2 semaphore(%dma_wait3A_1103 : memref<!tpu.dma_semaphore, #tpu.memory_space<semaphore_mem>>) src(%dma_wait3A_1109 : memref<1x100xi32, #tpu.memory_space<hbm>>) dst(%dma_wait3A_1107 : memref<1x100xi32, #tpu.memory_space<vmem>>)
          "tpu.trace_stop"() : () -> ()
        } else {
        }
        %ne3A_707 = arith.cmpi ne, %add3A_649, %add3A_658 : i32
        %or3A_708 = arith.constant false
        %or3A_709 = arith.ori %or3A_708, %ne3A_707 : i1
        %or3A_710 = arith.constant false
        %or3A_711 = arith.ori %or3A_709, %or3A_710 : i1
        %or3A_712 = arith.ori %or3A_711, %eq3A_646 : i1
        %convert_element_type3A_713 = arith.extui %or3A_712 : i1 to i32
        %cond3A_714 = arith.constant 0 : i32
        %cond3A_715 = arith.cmpi ne, %convert_element_type3A_713, %cond3A_714 : i32
        scf.if %cond3A_715 {
        } else {
        }
        %rem3A_716 = arith.constant 2 : i32
        %rem3A_717 = arith.remui %scan3A_641, %rem3A_716 : i32
        %rem3A_718 = arith.constant 2 : i32
        %rem3A_719 = arith.remui %scan3A_642, %rem3A_718 : i32
        %run_scoped3A_720 = arith.constant 0 : i32
        "tpu.trace_start"() <{level = 10 : i32, message = "ep_run_kernel"}> : () -> ()
        "tpu.region"() ({
          %run_scoped3A_1092 = tpu.sem_alloc : memref<!tpu.dma_semaphore, #tpu.memory_space<semaphore_mem>>
          %dma_start3A_1093 = arith.constant 0 : i32
          %dma_start3A_1094 = arith.constant 0 : i32
          %dma_start3A_1095 = tpu.memref_slice %run_scoped3A[%rem3A_717, %dma_start3A_1093, %dma_start3A_1094] : memref<2x1x100xi32, #tpu.memory_space<vmem>> -> memref<1x1x100xi32, #tpu.memory_space<vmem>>
          %dma_start3A_1096 = tpu.memref_squeeze %dma_start3A_1095 : memref<1x1x100xi32, #tpu.memory_space<vmem>> -> memref<1x100xi32, #tpu.memory_space<vmem>>
          %dma_start3A_1097 = arith.constant 0 : i32
          %dma_start3A_1098 = tpu.memref_slice %dma_start3A_1096[%run_scoped3A_720, %dma_start3A_1097] : memref<1x100xi32, #tpu.memory_space<vmem>> -> memref<1x100xi32, #tpu.memory_space<vmem>>
          %dma_start3A_1099 = tpu.memref_squeeze %dma_start3A_1098 : memref<1x100xi32, #tpu.memory_space<vmem>> -> memref<100xi32, #tpu.memory_space<vmem>>
          %dma_start3A_1100 = arith.constant 0 : i32
          %dma_start3A_1101 = arith.constant 0 : i32
          %dma_start3A_1102 = tpu.memref_slice %arg3[%dma_start3A_1100, %dma_start3A_1101] : memref<100000x128xf32, #tpu.memory_space<hbm>> -> memref<100000x128xf32, #tpu.memory_space<hbm>>
          tpu.enqueue_indirect_dma source(%dma_start3A_1102 : memref<100000x128xf32, #tpu.memory_space<hbm>>) target(%arg6 : memref<100x128xf32, #tpu.memory_space<vmem>>) offsets(%dma_start3A_1099 : memref<100xi32, #tpu.memory_space<vmem>>) semaphore(%run_scoped3A_1092 : memref<!tpu.dma_semaphore, #tpu.memory_space<semaphore_mem>>)
          %dma_wait3A_1103 = arith.constant 0 : i32
          %dma_wait3A_1104 = arith.constant 0 : i32
          %dma_wait3A_1105 = tpu.memref_slice %run_scoped3A[%rem3A_717, %dma_wait3A_1103, %dma_wait3A_1104] : memref<2x1x100xi32, #tpu.memory_space<vmem>> -> memref<1x1x100xi32, #tpu.memory_space<vmem>>
          %dma_wait3A_1106 = tpu.memref_squeeze %dma_wait3A_1105 : memref<1x1x100xi32, #tpu.memory_space<vmem>> -> memref<1x100xi32, #tpu.memory_space<vmem>>
          %dma_wait3A_1107 = arith.constant 0 : i32
          %dma_wait3A_1108 = tpu.memref_slice %dma_wait3A_1106[%run_scoped3A_720, %dma_wait3A_1107] : memref<1x100xi32, #tpu.memory_space<vmem>> -> memref<1x100xi32, #tpu.memory_space<vmem>>
          %dma_wait3A_1109 = tpu.memref_squeeze %dma_wait3A_1108 : memref<1x100xi32, #tpu.memory_space<vmem>> -> memref<100xi32, #tpu.memory_space<vmem>>
          %dma_wait3A_1110 = arith.constant 0 : i32
          %dma_wait3A_1111 = arith.constant 0 : i32
          %dma_wait3A_1112 = tpu.memref_slice %arg3[%dma_wait3A_1110, %dma_wait3A_1111] : memref<100000x128xf32, #tpu.memory_space<hbm>> -> memref<100000x128xf32, #tpu.memory_space<hbm>>
          tpu.wait_indirect_dma semaphore(%run_scoped3A_1092 : memref<!tpu.dma_semaphore, #tpu.memory_space<semaphore_mem>>) src(%dma_wait3A_1112 : memref<100000x128xf32, #tpu.memory_space<hbm>>) dst(%arg6 : memref<100x128xf32, #tpu.memory_space<vmem>>)
          tpu.yield
        }) : () -> ()
        %get3A_721 = arith.constant 0 : i32
        %get3A_722 = arith.index_cast %get3A_721 : i32 to index
        %get3A_723 = arith.constant 0 : index
        %get3A_724 = tpu.vector_load %arg8[%get3A_722, %get3A_723] {strides = array<i32>} : memref<1x128xf32, #tpu.memory_space<vmem>>, vector<1x16xf32>,
        %get3A_725 = vector.shape_cast %get3A_724 : vector<1x16xf32> to vector<16xf32>
        %get3A_726 = arith.constant 0 : i32
        %get3A_727 = arith.index_cast %get3A_726 : i32 to index
        %get3A_728 = arith.constant 16 : index
        %get3A_729 = tpu.vector_load %arg8[%get3A_727, %get3A_728] {strides = array<i32>} : memref<1x128xf32, #tpu.memory_space<vmem>>, vector<1x16xf32>,
        %get3A_730 = vector.shape_cast %get3A_729 : vector<1x16xf32> to vector<16xf32>
        %get3A_731 = arith.constant 0 : i32
        %get3A_732 = arith.index_cast %get3A_731 : i32 to index
        %get3A_733 = arith.constant 32 : index
        %get3A_734 = tpu.vector_load %arg8[%get3A_732, %get3A_733] {strides = array<i32>} : memref<1x128xf32, #tpu.memory_space<vmem>>, vector<1x16xf32>,
        %get3A_735 = vector.shape_cast %get3A_734 : vector<1x16xf32> to vector<16xf32>
        %get3A_736 = arith.constant 0 : i32
        %get3A_737 = arith.index_cast %get3A_736 : i32 to index
        %get3A_738 = arith.constant 48 : index
        %get3A_739 = tpu.vector_load %arg8[%get3A_737, %get3A_738] {strides = array<i32>} : memref<1x128xf32, #tpu.memory_space<vmem>>, vector<1x16xf32>,
        %get3A_740 = vector.shape_cast %get3A_739 : vector<1x16xf32> to vector<16xf32>
        %get3A_741 = arith.constant 0 : i32
        %get3A_742 = arith.index_cast %get3A_741 : i32 to index
        %get3A_743 = arith.constant 64 : index
        %get3A_744 = tpu.vector_load %arg8[%get3A_742, %get3A_743] {strides = array<i32>} : memref<1x128xf32, #tpu.memory_space<vmem>>, vector<1x16xf32>,
        %get3A_745 = vector.shape_cast %get3A_744 : vector<1x16xf32> to vector<16xf32>
        %get3A_746 = arith.constant 0 : i32
        %get3A_747 = arith.index_cast %get3A_746 : i32 to index
        %get3A_748 = arith.constant 80 : index
        %get3A_749 = tpu.vector_load %arg8[%get3A_747, %get3A_748] {strides = array<i32>} : memref<1x128xf32, #tpu.memory_space<vmem>>, vector<1x16xf32>,
        %get3A_750 = vector.shape_cast %get3A_749 : vector<1x16xf32> to vector<16xf32>
        %get3A_751 = arith.constant 0 : i32
        %get3A_752 = arith.index_cast %get3A_751 : i32 to index
        %get3A_753 = arith.constant 96 : index
        %get3A_754 = tpu.vector_load %arg8[%get3A_752, %get3A_753] {strides = array<i32>} : memref<1x128xf32, #tpu.memory_space<vmem>>, vector<1x16xf32>,
        %get3A_755 = vector.shape_cast %get3A_754 : vector<1x16xf32> to vector<16xf32>
        %get3A_756 = arith.constant 0 : i32
        %get3A_757 = arith.index_cast %get3A_756 : i32 to index
        %get3A_758 = arith.constant 112 : index
        %get3A_759 = tpu.vector_load %arg8[%get3A_757, %get3A_758] {strides = array<i32>} : memref<1x128xf32, #tpu.memory_space<vmem>>, vector<1x16xf32>,
        %get3A_760 = vector.shape_cast %get3A_759 : vector<1x16xf32> to vector<16xf32>
        %scan3A_761 = arith.constant 0 : i32
        %scan3A_762 = arith.constant 50 : i32
        %scan3A_763 = arith.addi %scan3A_761, %scan3A_762 : i32
        %scan3A_764 = arith.constant 1 : i32
        %scan3A_765:8 = scf.for %scan3A_1092 = %scan3A_761 to %scan3A_763 step %scan3A_764 iter_args(%scan3A_1093 = %get3A_725, %scan3A_1094 = %get3A_730, %scan3A_1095 = %get3A_735, %scan3A_1096 = %get3A_740, %scan3A_1097 = %get3A_745, %scan3A_1098 = %get3A_750, %scan3A_1099 = %get3A_755, %scan3A_1100 = %get3A_760) -> (vector<16xf32>, vector<16xf32>, vector<16xf32>, vector<16xf32>, vector<16xf32>, vector<16xf32>, vector<16xf32>, vector<16xf32>)  : i32 {
          %add3A_1101 = arith.constant 0 : i32
          %add3A_1102 = arith.addi %add3A_1101, %scan3A_1092 : i32
          %get3A_1103 = arith.index_cast %add3A_1102 : i32 to index
          %get3A_1104 = arith.constant 0 : index
          %get3A_1105 = tpu.vector_load %arg6[%get3A_1103, %get3A_1104] {strides = array<i32>} : memref<100x128xf32, #tpu.memory_space<vmem>>, vector<1x16xf32>,
          %get3A_1106 = vector.shape_cast %get3A_1105 : vector<1x16xf32> to vector<16xf32>
          %add3A_1107 = arith.addf %scan3A_1093, %get3A_1106 : vector<16xf32>
          %get3A_1108 = arith.index_cast %add3A_1102 : i32 to index
          %get3A_1109 = arith.constant 16 : index
          %get3A_1110 = tpu.vector_load %arg6[%get3A_1108, %get3A_1109] {strides = array<i32>} : memref<100x128xf32, #tpu.memory_space<vmem>>, vector<1x16xf32>,
          %get3A_1111 = vector.shape_cast %get3A_1110 : vector<1x16xf32> to vector<16xf32>
          %add3A_1112 = arith.addf %scan3A_1094, %get3A_1111 : vector<16xf32>
          %get3A_1113 = arith.index_cast %add3A_1102 : i32 to index
          %get3A_1114 = arith.constant 32 : index
          %get3A_1115 = tpu.vector_load %arg6[%get3A_1113, %get3A_1114] {strides = array<i32>} : memref<100x128xf32, #tpu.memory_space<vmem>>, vector<1x16xf32>,
          %get3A_1116 = vector.shape_cast %get3A_1115 : vector<1x16xf32> to vector<16xf32>
          %add3A_1117 = arith.addf %scan3A_1095, %get3A_1116 : vector<16xf32>
          %get3A_1118 = arith.index_cast %add3A_1102 : i32 to index
          %get3A_1119 = arith.constant 48 : index
          %get3A_1120 = tpu.vector_load %arg6[%get3A_1118, %get3A_1119] {strides = array<i32>} : memref<100x128xf32, #tpu.memory_space<vmem>>, vector<1x16xf32>,
          %get3A_1121 = vector.shape_cast %get3A_1120 : vector<1x16xf32> to vector<16xf32>
          %add3A_1122 = arith.addf %scan3A_1096, %get3A_1121 : vector<16xf32>
          %get3A_1123 = arith.index_cast %add3A_1102 : i32 to index
          %get3A_1124 = arith.constant 64 : index
          %get3A_1125 = tpu.vector_load %arg6[%get3A_1123, %get3A_1124] {strides = array<i32>} : memref<100x128xf32, #tpu.memory_space<vmem>>, vector<1x16xf32>,
          %get3A_1126 = vector.shape_cast %get3A_1125 : vector<1x16xf32> to vector<16xf32>
          %add3A_1127 = arith.addf %scan3A_1097, %get3A_1126 : vector<16xf32>
          %get3A_1128 = arith.index_cast %add3A_1102 : i32 to index
          %get3A_1129 = arith.constant 80 : index
          %get3A_1130 = tpu.vector_load %arg6[%get3A_1128, %get3A_1129] {strides = array<i32>} : memref<100x128xf32, #tpu.memory_space<vmem>>, vector<1x16xf32>,
          %get3A_1131 = vector.shape_cast %get3A_1130 : vector<1x16xf32> to vector<16xf32>
          %add3A_1132 = arith.addf %scan3A_1098, %get3A_1131 : vector<16xf32>
          %get3A_1133 = arith.index_cast %add3A_1102 : i32 to index
          %get3A_1134 = arith.constant 96 : index
          %get3A_1135 = tpu.vector_load %arg6[%get3A_1133, %get3A_1134] {strides = array<i32>} : memref<100x128xf32, #tpu.memory_space<vmem>>, vector<1x16xf32>,
          %get3A_1136 = vector.shape_cast %get3A_1135 : vector<1x16xf32> to vector<16xf32>
          %add3A_1137 = arith.addf %scan3A_1099, %get3A_1136 : vector<16xf32>
          %get3A_1138 = arith.index_cast %add3A_1102 : i32 to index
          %get3A_1139 = arith.constant 112 : index
          %get3A_1140 = tpu.vector_load %arg6[%get3A_1138, %get3A_1139] {strides = array<i32>} : memref<100x128xf32, #tpu.memory_space<vmem>>, vector<1x16xf32>,
          %get3A_1141 = vector.shape_cast %get3A_1140 : vector<1x16xf32> to vector<16xf32>
          %add3A_1142 = arith.addf %scan3A_1100, %get3A_1141 : vector<16xf32>
          scf.yield %add3A_1107, %add3A_1112, %add3A_1117, %add3A_1122, %add3A_1127, %add3A_1132, %add3A_1137, %add3A_1142 : vector<16xf32>, vector<16xf32>, vector<16xf32>, vector<16xf32>, vector<16xf32>, vector<16xf32>, vector<16xf32>, vector<16xf32>
        }
        %scan3A_766 = arith.constant 50 : i32
        %mul3A_767 = arith.constant 0.0166666675 : f32
        %mul3A_768 = vector.broadcast %mul3A_767 : f32 to vector<16xf32>
        %mul3A_769 = arith.mulf %scan3A_765#0, %mul3A_768 : vector<16xf32>
        %swap3A_770 = arith.constant 0 : i32
        %swap3A_771 = arith.constant 0 : i32
        %swap3A_772 = arith.constant 0 : i32
        %swap3A_773 = tpu.memref_slice %run_scoped3A_526[%rem3A_719, %swap3A_771, %swap3A_772] : memref<2x2x128xf32, #tpu.memory_space<vmem>> -> memref<1x2x128xf32, #tpu.memory_space<vmem>>
        %swap3A_774 = tpu.memref_squeeze %swap3A_773 : memref<1x2x128xf32, #tpu.memory_space<vmem>> -> memref<2x128xf32, #tpu.memory_space<vmem>>
        %swap3A_775 = arith.index_cast %swap3A_770 : i32 to index
        %swap3A_776 = arith.constant 0 : index
        %swap3A_777 = tpu.vector_load %swap3A_774[%swap3A_775, %swap3A_776] {strides = array<i32>} : memref<2x128xf32, #tpu.memory_space<vmem>>, vector<1x16xf32>,
        %swap3A_778 = vector.shape_cast %swap3A_777 : vector<1x16xf32> to vector<16xf32>
        %swap3A_779 = vector.shape_cast %mul3A_769 : vector<16xf32> to vector<1x16xf32>
        tpu.vector_store %swap3A_774[%swap3A_775, %swap3A_776], %swap3A_779 {strides = array<i32>} : memref<2x128xf32, #tpu.memory_space<vmem>>, vector<1x16xf32>,
        %mul3A_780 = arith.constant 0.0166666675 : f32
        %mul3A_781 = vector.broadcast %mul3A_780 : f32 to vector<16xf32>
        %mul3A_782 = arith.mulf %scan3A_765#1, %mul3A_781 : vector<16xf32>
        %swap3A_783 = arith.constant 0 : i32
        %swap3A_784 = arith.constant 0 : i32
        %swap3A_785 = arith.constant 0 : i32
        %swap3A_786 = tpu.memref_slice %run_scoped3A_526[%rem3A_719, %swap3A_784, %swap3A_785] : memref<2x2x128xf32, #tpu.memory_space<vmem>> -> memref<1x2x128xf32, #tpu.memory_space<vmem>>
        %swap3A_787 = tpu.memref_squeeze %swap3A_786 : memref<1x2x128xf32, #tpu.memory_space<vmem>> -> memref<2x128xf32, #tpu.memory_space<vmem>>
        %swap3A_788 = arith.index_cast %swap3A_783 : i32 to index
        %swap3A_789 = arith.constant 16 : index
        %swap3A_790 = tpu.vector_load %swap3A_787[%swap3A_788, %swap3A_789] {strides = array<i32>} : memref<2x128xf32, #tpu.memory_space<vmem>>, vector<1x16xf32>,
        %swap3A_791 = vector.shape_cast %swap3A_790 : vector<1x16xf32> to vector<16xf32>
        %swap3A_792 = vector.shape_cast %mul3A_782 : vector<16xf32> to vector<1x16xf32>
        tpu.vector_store %swap3A_787[%swap3A_788, %swap3A_789], %swap3A_792 {strides = array<i32>} : memref<2x128xf32, #tpu.memory_space<vmem>>, vector<1x16xf32>,
        %mul3A_793 = arith.constant 0.0166666675 : f32
        %mul3A_794 = vector.broadcast %mul3A_793 : f32 to vector<16xf32>
        %mul3A_795 = arith.mulf %scan3A_765#2, %mul3A_794 : vector<16xf32>
        %swap3A_796 = arith.constant 0 : i32
        %swap3A_797 = arith.constant 0 : i32
        %swap3A_798 = arith.constant 0 : i32
        %swap3A_799 = tpu.memref_slice %run_scoped3A_526[%rem3A_719, %swap3A_797, %swap3A_798] : memref<2x2x128xf32, #tpu.memory_space<vmem>> -> memref<1x2x128xf32, #tpu.memory_space<vmem>>
        %swap3A_800 = tpu.memref_squeeze %swap3A_799 : memref<1x2x128xf32, #tpu.memory_space<vmem>> -> memref<2x128xf32, #tpu.memory_space<vmem>>
        %swap3A_801 = arith.index_cast %swap3A_796 : i32 to index
        %swap3A_802 = arith.constant 32 : index
        %swap3A_803 = tpu.vector_load %swap3A_800[%swap3A_801, %swap3A_802] {strides = array<i32>} : memref<2x128xf32, #tpu.memory_space<vmem>>, vector<1x16xf32>,
        %swap3A_804 = vector.shape_cast %swap3A_803 : vector<1x16xf32> to vector<16xf32>
        %swap3A_805 = vector.shape_cast %mul3A_795 : vector<16xf32> to vector<1x16xf32>
        tpu.vector_store %swap3A_800[%swap3A_801, %swap3A_802], %swap3A_805 {strides = array<i32>} : memref<2x128xf32, #tpu.memory_space<vmem>>, vector<1x16xf32>,
        %mul3A_806 = arith.constant 0.0166666675 : f32
        %mul3A_807 = vector.broadcast %mul3A_806 : f32 to vector<16xf32>
        %mul3A_808 = arith.mulf %scan3A_765#3, %mul3A_807 : vector<16xf32>
        %swap3A_809 = arith.constant 0 : i32
        %swap3A_810 = arith.constant 0 : i32
        %swap3A_811 = arith.constant 0 : i32
        %swap3A_812 = tpu.memref_slice %run_scoped3A_526[%rem3A_719, %swap3A_810, %swap3A_811] : memref<2x2x128xf32, #tpu.memory_space<vmem>> -> memref<1x2x128xf32, #tpu.memory_space<vmem>>
        %swap3A_813 = tpu.memref_squeeze %swap3A_812 : memref<1x2x128xf32, #tpu.memory_space<vmem>> -> memref<2x128xf32, #tpu.memory_space<vmem>>
        %swap3A_814 = arith.index_cast %swap3A_809 : i32 to index
        %swap3A_815 = arith.constant 48 : index
        %swap3A_816 = tpu.vector_load %swap3A_813[%swap3A_814, %swap3A_815] {strides = array<i32>} : memref<2x128xf32, #tpu.memory_space<vmem>>, vector<1x16xf32>,
        %swap3A_817 = vector.shape_cast %swap3A_816 : vector<1x16xf32> to vector<16xf32>
        %swap3A_818 = vector.shape_cast %mul3A_808 : vector<16xf32> to vector<1x16xf32>
        tpu.vector_store %swap3A_813[%swap3A_814, %swap3A_815], %swap3A_818 {strides = array<i32>} : memref<2x128xf32, #tpu.memory_space<vmem>>, vector<1x16xf32>,
        %mul3A_819 = arith.constant 0.0166666675 : f32
        %mul3A_820 = vector.broadcast %mul3A_819 : f32 to vector<16xf32>
        %mul3A_821 = arith.mulf %scan3A_765#4, %mul3A_820 : vector<16xf32>
        %swap3A_822 = arith.constant 0 : i32
        %swap3A_823 = arith.constant 0 : i32
        %swap3A_824 = arith.constant 0 : i32
        %swap3A_825 = tpu.memref_slice %run_scoped3A_526[%rem3A_719, %swap3A_823, %swap3A_824] : memref<2x2x128xf32, #tpu.memory_space<vmem>> -> memref<1x2x128xf32, #tpu.memory_space<vmem>>
        %swap3A_826 = tpu.memref_squeeze %swap3A_825 : memref<1x2x128xf32, #tpu.memory_space<vmem>> -> memref<2x128xf32, #tpu.memory_space<vmem>>
        %swap3A_827 = arith.index_cast %swap3A_822 : i32 to index
        %swap3A_828 = arith.constant 64 : index
        %swap3A_829 = tpu.vector_load %swap3A_826[%swap3A_827, %swap3A_828] {strides = array<i32>} : memref<2x128xf32, #tpu.memory_space<vmem>>, vector<1x16xf32>,
        %swap3A_830 = vector.shape_cast %swap3A_829 : vector<1x16xf32> to vector<16xf32>
        %swap3A_831 = vector.shape_cast %mul3A_821 : vector<16xf32> to vector<1x16xf32>
        tpu.vector_store %swap3A_826[%swap3A_827, %swap3A_828], %swap3A_831 {strides = array<i32>} : memref<2x128xf32, #tpu.memory_space<vmem>>, vector<1x16xf32>,
        %mul3A_832 = arith.constant 0.0166666675 : f32
        %mul3A_833 = vector.broadcast %mul3A_832 : f32 to vector<16xf32>
        %mul3A_834 = arith.mulf %scan3A_765#5, %mul3A_833 : vector<16xf32>
        %swap3A_835 = arith.constant 0 : i32
        %swap3A_836 = arith.constant 0 : i32
        %swap3A_837 = arith.constant 0 : i32
        %swap3A_838 = tpu.memref_slice %run_scoped3A_526[%rem3A_719, %swap3A_836, %swap3A_837] : memref<2x2x128xf32, #tpu.memory_space<vmem>> -> memref<1x2x128xf32, #tpu.memory_space<vmem>>
        %swap3A_839 = tpu.memref_squeeze %swap3A_838 : memref<1x2x128xf32, #tpu.memory_space<vmem>> -> memref<2x128xf32, #tpu.memory_space<vmem>>
        %swap3A_840 = arith.index_cast %swap3A_835 : i32 to index
        %swap3A_841 = arith.constant 80 : index
        %swap3A_842 = tpu.vector_load %swap3A_839[%swap3A_840, %swap3A_841] {strides = array<i32>} : memref<2x128xf32, #tpu.memory_space<vmem>>, vector<1x16xf32>,
        %swap3A_843 = vector.shape_cast %swap3A_842 : vector<1x16xf32> to vector<16xf32>
        %swap3A_844 = vector.shape_cast %mul3A_834 : vector<16xf32> to vector<1x16xf32>
        tpu.vector_store %swap3A_839[%swap3A_840, %swap3A_841], %swap3A_844 {strides = array<i32>} : memref<2x128xf32, #tpu.memory_space<vmem>>, vector<1x16xf32>,
        %mul3A_845 = arith.constant 0.0166666675 : f32
        %mul3A_846 = vector.broadcast %mul3A_845 : f32 to vector<16xf32>
        %mul3A_847 = arith.mulf %scan3A_765#6, %mul3A_846 : vector<16xf32>
        %swap3A_848 = arith.constant 0 : i32
        %swap3A_849 = arith.constant 0 : i32
        %swap3A_850 = arith.constant 0 : i32
        %swap3A_851 = tpu.memref_slice %run_scoped3A_526[%rem3A_719, %swap3A_849, %swap3A_850] : memref<2x2x128xf32, #tpu.memory_space<vmem>> -> memref<1x2x128xf32, #tpu.memory_space<vmem>>
        %swap3A_852 = tpu.memref_squeeze %swap3A_851 : memref<1x2x128xf32, #tpu.memory_space<vmem>> -> memref<2x128xf32, #tpu.memory_space<vmem>>
        %swap3A_853 = arith.index_cast %swap3A_848 : i32 to index
        %swap3A_854 = arith.constant 96 : index
        %swap3A_855 = tpu.vector_load %swap3A_852[%swap3A_853, %swap3A_854] {strides = array<i32>} : memref<2x128xf32, #tpu.memory_space<vmem>>, vector<1x16xf32>,
        %swap3A_856 = vector.shape_cast %swap3A_855 : vector<1x16xf32> to vector<16xf32>
        %swap3A_857 = vector.shape_cast %mul3A_847 : vector<16xf32> to vector<1x16xf32>
        tpu.vector_store %swap3A_852[%swap3A_853, %swap3A_854], %swap3A_857 {strides = array<i32>} : memref<2x128xf32, #tpu.memory_space<vmem>>, vector<1x16xf32>,
        %mul3A_858 = arith.constant 0.0166666675 : f32
        %mul3A_859 = vector.broadcast %mul3A_858 : f32 to vector<16xf32>
        %mul3A_860 = arith.mulf %scan3A_765#7, %mul3A_859 : vector<16xf32>
        %swap3A_861 = arith.constant 0 : i32
        %swap3A_862 = arith.constant 0 : i32
        %swap3A_863 = arith.constant 0 : i32
        %swap3A_864 = tpu.memref_slice %run_scoped3A_526[%rem3A_719, %swap3A_862, %swap3A_863] : memref<2x2x128xf32, #tpu.memory_space<vmem>> -> memref<1x2x128xf32, #tpu.memory_space<vmem>>
        %swap3A_865 = tpu.memref_squeeze %swap3A_864 : memref<1x2x128xf32, #tpu.memory_space<vmem>> -> memref<2x128xf32, #tpu.memory_space<vmem>>
        %swap3A_866 = arith.index_cast %swap3A_861 : i32 to index
        %swap3A_867 = arith.constant 112 : index
        %swap3A_868 = tpu.vector_load %swap3A_865[%swap3A_866, %swap3A_867] {strides = array<i32>} : memref<2x128xf32, #tpu.memory_space<vmem>>, vector<1x16xf32>,
        %swap3A_869 = vector.shape_cast %swap3A_868 : vector<1x16xf32> to vector<16xf32>
        %swap3A_870 = vector.shape_cast %mul3A_860 : vector<16xf32> to vector<1x16xf32>
        tpu.vector_store %swap3A_865[%swap3A_866, %swap3A_867], %swap3A_870 {strides = array<i32>} : memref<2x128xf32, #tpu.memory_space<vmem>>, vector<1x16xf32>,
        %get3A_871 = arith.constant 0 : i32
        %get3A_872 = arith.index_cast %get3A_871 : i32 to index
        %get3A_873 = arith.constant 0 : index
        %get3A_874 = tpu.vector_load %arg8[%get3A_872, %get3A_873] {strides = array<i32>} : memref<1x128xf32, #tpu.memory_space<vmem>>, vector<1x16xf32>,
        %get3A_875 = vector.shape_cast %get3A_874 : vector<1x16xf32> to vector<16xf32>
        %get3A_876 = arith.constant 0 : i32
        %get3A_877 = arith.index_cast %get3A_876 : i32 to index
        %get3A_878 = arith.constant 16 : index
        %get3A_879 = tpu.vector_load %arg8[%get3A_877, %get3A_878] {strides = array<i32>} : memref<1x128xf32, #tpu.memory_space<vmem>>, vector<1x16xf32>,
        %get3A_880 = vector.shape_cast %get3A_879 : vector<1x16xf32> to vector<16xf32>
        %get3A_881 = arith.constant 0 : i32
        %get3A_882 = arith.index_cast %get3A_881 : i32 to index
        %get3A_883 = arith.constant 32 : index
        %get3A_884 = tpu.vector_load %arg8[%get3A_882, %get3A_883] {strides = array<i32>} : memref<1x128xf32, #tpu.memory_space<vmem>>, vector<1x16xf32>,
        %get3A_885 = vector.shape_cast %get3A_884 : vector<1x16xf32> to vector<16xf32>
        %get3A_886 = arith.constant 0 : i32
        %get3A_887 = arith.index_cast %get3A_886 : i32 to index
        %get3A_888 = arith.constant 48 : index
        %get3A_889 = tpu.vector_load %arg8[%get3A_887, %get3A_888] {strides = array<i32>} : memref<1x128xf32, #tpu.memory_space<vmem>>, vector<1x16xf32>,
        %get3A_890 = vector.shape_cast %get3A_889 : vector<1x16xf32> to vector<16xf32>
        %get3A_891 = arith.constant 0 : i32
        %get3A_892 = arith.index_cast %get3A_891 : i32 to index
        %get3A_893 = arith.constant 64 : index
        %get3A_894 = tpu.vector_load %arg8[%get3A_892, %get3A_893] {strides = array<i32>} : memref<1x128xf32, #tpu.memory_space<vmem>>, vector<1x16xf32>,
        %get3A_895 = vector.shape_cast %get3A_894 : vector<1x16xf32> to vector<16xf32>
        %get3A_896 = arith.constant 0 : i32
        %get3A_897 = arith.index_cast %get3A_896 : i32 to index
        %get3A_898 = arith.constant 80 : index
        %get3A_899 = tpu.vector_load %arg8[%get3A_897, %get3A_898] {strides = array<i32>} : memref<1x128xf32, #tpu.memory_space<vmem>>, vector<1x16xf32>,
        %get3A_900 = vector.shape_cast %get3A_899 : vector<1x16xf32> to vector<16xf32>
        %get3A_901 = arith.constant 0 : i32
        %get3A_902 = arith.index_cast %get3A_901 : i32 to index
        %get3A_903 = arith.constant 96 : index
        %get3A_904 = tpu.vector_load %arg8[%get3A_902, %get3A_903] {strides = array<i32>} : memref<1x128xf32, #tpu.memory_space<vmem>>, vector<1x16xf32>,
        %get3A_905 = vector.shape_cast %get3A_904 : vector<1x16xf32> to vector<16xf32>
        %get3A_906 = arith.constant 0 : i32
        %get3A_907 = arith.index_cast %get3A_906 : i32 to index
        %get3A_908 = arith.constant 112 : index
        %get3A_909 = tpu.vector_load %arg8[%get3A_907, %get3A_908] {strides = array<i32>} : memref<1x128xf32, #tpu.memory_space<vmem>>, vector<1x16xf32>,
        %get3A_910 = vector.shape_cast %get3A_909 : vector<1x16xf32> to vector<16xf32>
        %scan3A_911 = arith.constant 0 : i32
        %scan3A_912 = arith.constant 50 : i32
        %scan3A_913 = arith.addi %scan3A_911, %scan3A_912 : i32
        %scan3A_914 = arith.constant 1 : i32
        %scan3A_915:8 = scf.for %scan3A_1092 = %scan3A_911 to %scan3A_913 step %scan3A_914 iter_args(%scan3A_1093 = %get3A_875, %scan3A_1094 = %get3A_880, %scan3A_1095 = %get3A_885, %scan3A_1096 = %get3A_890, %scan3A_1097 = %get3A_895, %scan3A_1098 = %get3A_900, %scan3A_1099 = %get3A_905, %scan3A_1100 = %get3A_910) -> (vector<16xf32>, vector<16xf32>, vector<16xf32>, vector<16xf32>, vector<16xf32>, vector<16xf32>, vector<16xf32>, vector<16xf32>)  : i32 {
          %add3A_1101 = arith.constant 50 : i32
          %add3A_1102 = arith.addi %add3A_1101, %scan3A_1092 : i32
          %get3A_1103 = arith.index_cast %add3A_1102 : i32 to index
          %get3A_1104 = arith.constant 0 : index
          %get3A_1105 = tpu.vector_load %arg6[%get3A_1103, %get3A_1104] {strides = array<i32>} : memref<100x128xf32, #tpu.memory_space<vmem>>, vector<1x16xf32>,
          %get3A_1106 = vector.shape_cast %get3A_1105 : vector<1x16xf32> to vector<16xf32>
          %add3A_1107 = arith.addf %scan3A_1093, %get3A_1106 : vector<16xf32>
          %get3A_1108 = arith.index_cast %add3A_1102 : i32 to index
          %get3A_1109 = arith.constant 16 : index
          %get3A_1110 = tpu.vector_load %arg6[%get3A_1108, %get3A_1109] {strides = array<i32>} : memref<100x128xf32, #tpu.memory_space<vmem>>, vector<1x16xf32>,
          %get3A_1111 = vector.shape_cast %get3A_1110 : vector<1x16xf32> to vector<16xf32>
          %add3A_1112 = arith.addf %scan3A_1094, %get3A_1111 : vector<16xf32>
          %get3A_1113 = arith.index_cast %add3A_1102 : i32 to index
          %get3A_1114 = arith.constant 32 : index
          %get3A_1115 = tpu.vector_load %arg6[%get3A_1113, %get3A_1114] {strides = array<i32>} : memref<100x128xf32, #tpu.memory_space<vmem>>, vector<1x16xf32>,
          %get3A_1116 = vector.shape_cast %get3A_1115 : vector<1x16xf32> to vector<16xf32>
          %add3A_1117 = arith.addf %scan3A_1095, %get3A_1116 : vector<16xf32>
          %get3A_1118 = arith.index_cast %add3A_1102 : i32 to index
          %get3A_1119 = arith.constant 48 : index
          %get3A_1120 = tpu.vector_load %arg6[%get3A_1118, %get3A_1119] {strides = array<i32>} : memref<100x128xf32, #tpu.memory_space<vmem>>, vector<1x16xf32>,
          %get3A_1121 = vector.shape_cast %get3A_1120 : vector<1x16xf32> to vector<16xf32>
          %add3A_1122 = arith.addf %scan3A_1096, %get3A_1121 : vector<16xf32>
          %get3A_1123 = arith.index_cast %add3A_1102 : i32 to index
          %get3A_1124 = arith.constant 64 : index
          %get3A_1125 = tpu.vector_load %arg6[%get3A_1123, %get3A_1124] {strides = array<i32>} : memref<100x128xf32, #tpu.memory_space<vmem>>, vector<1x16xf32>,
          %get3A_1126 = vector.shape_cast %get3A_1125 : vector<1x16xf32> to vector<16xf32>
          %add3A_1127 = arith.addf %scan3A_1097, %get3A_1126 : vector<16xf32>
          %get3A_1128 = arith.index_cast %add3A_1102 : i32 to index
          %get3A_1129 = arith.constant 80 : index
          %get3A_1130 = tpu.vector_load %arg6[%get3A_1128, %get3A_1129] {strides = array<i32>} : memref<100x128xf32, #tpu.memory_space<vmem>>, vector<1x16xf32>,
          %get3A_1131 = vector.shape_cast %get3A_1130 : vector<1x16xf32> to vector<16xf32>
          %add3A_1132 = arith.addf %scan3A_1098, %get3A_1131 : vector<16xf32>
          %get3A_1133 = arith.index_cast %add3A_1102 : i32 to index
          %get3A_1134 = arith.constant 96 : index
          %get3A_1135 = tpu.vector_load %arg6[%get3A_1133, %get3A_1134] {strides = array<i32>} : memref<100x128xf32, #tpu.memory_space<vmem>>, vector<1x16xf32>,
          %get3A_1136 = vector.shape_cast %get3A_1135 : vector<1x16xf32> to vector<16xf32>
          %add3A_1137 = arith.addf %scan3A_1099, %get3A_1136 : vector<16xf32>
          %get3A_1138 = arith.index_cast %add3A_1102 : i32 to index
          %get3A_1139 = arith.constant 112 : index
          %get3A_1140 = tpu.vector_load %arg6[%get3A_1138, %get3A_1139] {strides = array<i32>} : memref<100x128xf32, #tpu.memory_space<vmem>>, vector<1x16xf32>,
          %get3A_1141 = vector.shape_cast %get3A_1140 : vector<1x16xf32> to vector<16xf32>
          %add3A_1142 = arith.addf %scan3A_1100, %get3A_1141 : vector<16xf32>
          scf.yield %add3A_1107, %add3A_1112, %add3A_1117, %add3A_1122, %add3A_1127, %add3A_1132, %add3A_1137, %add3A_1142 : vector<16xf32>, vector<16xf32>, vector<16xf32>, vector<16xf32>, vector<16xf32>, vector<16xf32>, vector<16xf32>, vector<16xf32>
        }
        %scan3A_916 = arith.constant 50 : i32
        %mul3A_917 = arith.constant 0.0166666675 : f32
        %mul3A_918 = vector.broadcast %mul3A_917 : f32 to vector<16xf32>
        %mul3A_919 = arith.mulf %scan3A_915#0, %mul3A_918 : vector<16xf32>
        %swap3A_920 = arith.constant 1 : i32
        %swap3A_921 = arith.constant 0 : i32
        %swap3A_922 = arith.constant 0 : i32
        %swap3A_923 = tpu.memref_slice %run_scoped3A_526[%rem3A_719, %swap3A_921, %swap3A_922] : memref<2x2x128xf32, #tpu.memory_space<vmem>> -> memref<1x2x128xf32, #tpu.memory_space<vmem>>
        %swap3A_924 = tpu.memref_squeeze %swap3A_923 : memref<1x2x128xf32, #tpu.memory_space<vmem>> -> memref<2x128xf32, #tpu.memory_space<vmem>>
        %swap3A_925 = arith.index_cast %swap3A_920 : i32 to index
        %swap3A_926 = arith.constant 0 : index
        %swap3A_927 = tpu.vector_load %swap3A_924[%swap3A_925, %swap3A_926] {strides = array<i32>} : memref<2x128xf32, #tpu.memory_space<vmem>>, vector<1x16xf32>,
        %swap3A_928 = vector.shape_cast %swap3A_927 : vector<1x16xf32> to vector<16xf32>
        %swap3A_929 = vector.shape_cast %mul3A_919 : vector<16xf32> to vector<1x16xf32>
        tpu.vector_store %swap3A_924[%swap3A_925, %swap3A_926], %swap3A_929 {strides = array<i32>} : memref<2x128xf32, #tpu.memory_space<vmem>>, vector<1x16xf32>,
        %mul3A_930 = arith.constant 0.0166666675 : f32
        %mul3A_931 = vector.broadcast %mul3A_930 : f32 to vector<16xf32>
        %mul3A_932 = arith.mulf %scan3A_915#1, %mul3A_931 : vector<16xf32>
        %swap3A_933 = arith.constant 1 : i32
        %swap3A_934 = arith.constant 0 : i32
        %swap3A_935 = arith.constant 0 : i32
        %swap3A_936 = tpu.memref_slice %run_scoped3A_526[%rem3A_719, %swap3A_934, %swap3A_935] : memref<2x2x128xf32, #tpu.memory_space<vmem>> -> memref<1x2x128xf32, #tpu.memory_space<vmem>>
        %swap3A_937 = tpu.memref_squeeze %swap3A_936 : memref<1x2x128xf32, #tpu.memory_space<vmem>> -> memref<2x128xf32, #tpu.memory_space<vmem>>
        %swap3A_938 = arith.index_cast %swap3A_933 : i32 to index
        %swap3A_939 = arith.constant 16 : index
        %swap3A_940 = tpu.vector_load %swap3A_937[%swap3A_938, %swap3A_939] {strides = array<i32>} : memref<2x128xf32, #tpu.memory_space<vmem>>, vector<1x16xf32>,
        %swap3A_941 = vector.shape_cast %swap3A_940 : vector<1x16xf32> to vector<16xf32>
        %swap3A_942 = vector.shape_cast %mul3A_932 : vector<16xf32> to vector<1x16xf32>
        tpu.vector_store %swap3A_937[%swap3A_938, %swap3A_939], %swap3A_942 {strides = array<i32>} : memref<2x128xf32, #tpu.memory_space<vmem>>, vector<1x16xf32>,
        %mul3A_943 = arith.constant 0.0166666675 : f32
        %mul3A_944 = vector.broadcast %mul3A_943 : f32 to vector<16xf32>
        %mul3A_945 = arith.mulf %scan3A_915#2, %mul3A_944 : vector<16xf32>
        %swap3A_946 = arith.constant 1 : i32
        %swap3A_947 = arith.constant 0 : i32
        %swap3A_948 = arith.constant 0 : i32
        %swap3A_949 = tpu.memref_slice %run_scoped3A_526[%rem3A_719, %swap3A_947, %swap3A_948] : memref<2x2x128xf32, #tpu.memory_space<vmem>> -> memref<1x2x128xf32, #tpu.memory_space<vmem>>
        %swap3A_950 = tpu.memref_squeeze %swap3A_949 : memref<1x2x128xf32, #tpu.memory_space<vmem>> -> memref<2x128xf32, #tpu.memory_space<vmem>>
        %swap3A_951 = arith.index_cast %swap3A_946 : i32 to index
        %swap3A_952 = arith.constant 32 : index
        %swap3A_953 = tpu.vector_load %swap3A_950[%swap3A_951, %swap3A_952] {strides = array<i32>} : memref<2x128xf32, #tpu.memory_space<vmem>>, vector<1x16xf32>,
        %swap3A_954 = vector.shape_cast %swap3A_953 : vector<1x16xf32> to vector<16xf32>
        %swap3A_955 = vector.shape_cast %mul3A_945 : vector<16xf32> to vector<1x16xf32>
        tpu.vector_store %swap3A_950[%swap3A_951, %swap3A_952], %swap3A_955 {strides = array<i32>} : memref<2x128xf32, #tpu.memory_space<vmem>>, vector<1x16xf32>,
        %mul3A_956 = arith.constant 0.0166666675 : f32
        %mul3A_957 = vector.broadcast %mul3A_956 : f32 to vector<16xf32>
        %mul3A_958 = arith.mulf %scan3A_915#3, %mul3A_957 : vector<16xf32>
        %swap3A_959 = arith.constant 1 : i32
        %swap3A_960 = arith.constant 0 : i32
        %swap3A_961 = arith.constant 0 : i32
        %swap3A_962 = tpu.memref_slice %run_scoped3A_526[%rem3A_719, %swap3A_960, %swap3A_961] : memref<2x2x128xf32, #tpu.memory_space<vmem>> -> memref<1x2x128xf32, #tpu.memory_space<vmem>>
        %swap3A_963 = tpu.memref_squeeze %swap3A_962 : memref<1x2x128xf32, #tpu.memory_space<vmem>> -> memref<2x128xf32, #tpu.memory_space<vmem>>
        %swap3A_964 = arith.index_cast %swap3A_959 : i32 to index
        %swap3A_965 = arith.constant 48 : index
        %swap3A_966 = tpu.vector_load %swap3A_963[%swap3A_964, %swap3A_965] {strides = array<i32>} : memref<2x128xf32, #tpu.memory_space<vmem>>, vector<1x16xf32>,
        %swap3A_967 = vector.shape_cast %swap3A_966 : vector<1x16xf32> to vector<16xf32>
        %swap3A_968 = vector.shape_cast %mul3A_958 : vector<16xf32> to vector<1x16xf32>
        tpu.vector_store %swap3A_963[%swap3A_964, %swap3A_965], %swap3A_968 {strides = array<i32>} : memref<2x128xf32, #tpu.memory_space<vmem>>, vector<1x16xf32>,
        %mul3A_969 = arith.constant 0.0166666675 : f32
        %mul3A_970 = vector.broadcast %mul3A_969 : f32 to vector<16xf32>
        %mul3A_971 = arith.mulf %scan3A_915#4, %mul3A_970 : vector<16xf32>
        %swap3A_972 = arith.constant 1 : i32
        %swap3A_973 = arith.constant 0 : i32
        %swap3A_974 = arith.constant 0 : i32
        %swap3A_975 = tpu.memref_slice %run_scoped3A_526[%rem3A_719, %swap3A_973, %swap3A_974] : memref<2x2x128xf32, #tpu.memory_space<vmem>> -> memref<1x2x128xf32, #tpu.memory_space<vmem>>
        %swap3A_976 = tpu.memref_squeeze %swap3A_975 : memref<1x2x128xf32, #tpu.memory_space<vmem>> -> memref<2x128xf32, #tpu.memory_space<vmem>>
        %swap3A_977 = arith.index_cast %swap3A_972 : i32 to index
        %swap3A_978 = arith.constant 64 : index
        %swap3A_979 = tpu.vector_load %swap3A_976[%swap3A_977, %swap3A_978] {strides = array<i32>} : memref<2x128xf32, #tpu.memory_space<vmem>>, vector<1x16xf32>,
        %swap3A_980 = vector.shape_cast %swap3A_979 : vector<1x16xf32> to vector<16xf32>
        %swap3A_981 = vector.shape_cast %mul3A_971 : vector<16xf32> to vector<1x16xf32>
        tpu.vector_store %swap3A_976[%swap3A_977, %swap3A_978], %swap3A_981 {strides = array<i32>} : memref<2x128xf32, #tpu.memory_space<vmem>>, vector<1x16xf32>,
        %mul3A_982 = arith.constant 0.0166666675 : f32
        %mul3A_983 = vector.broadcast %mul3A_982 : f32 to vector<16xf32>
        %mul3A_984 = arith.mulf %scan3A_915#5, %mul3A_983 : vector<16xf32>
        %swap3A_985 = arith.constant 1 : i32
        %swap3A_986 = arith.constant 0 : i32
        %swap3A_987 = arith.constant 0 : i32
        %swap3A_988 = tpu.memref_slice %run_scoped3A_526[%rem3A_719, %swap3A_986, %swap3A_987] : memref<2x2x128xf32, #tpu.memory_space<vmem>> -> memref<1x2x128xf32, #tpu.memory_space<vmem>>
        %swap3A_989 = tpu.memref_squeeze %swap3A_988 : memref<1x2x128xf32, #tpu.memory_space<vmem>> -> memref<2x128xf32, #tpu.memory_space<vmem>>
        %swap3A_990 = arith.index_cast %swap3A_985 : i32 to index
        %swap3A_991 = arith.constant 80 : index
        %swap3A_992 = tpu.vector_load %swap3A_989[%swap3A_990, %swap3A_991] {strides = array<i32>} : memref<2x128xf32, #tpu.memory_space<vmem>>, vector<1x16xf32>,
        %swap3A_993 = vector.shape_cast %swap3A_992 : vector<1x16xf32> to vector<16xf32>
        %swap3A_994 = vector.shape_cast %mul3A_984 : vector<16xf32> to vector<1x16xf32>
        tpu.vector_store %swap3A_989[%swap3A_990, %swap3A_991], %swap3A_994 {strides = array<i32>} : memref<2x128xf32, #tpu.memory_space<vmem>>, vector<1x16xf32>,
        %mul3A_995 = arith.constant 0.0166666675 : f32
        %mul3A_996 = vector.broadcast %mul3A_995 : f32 to vector<16xf32>
        %mul3A_997 = arith.mulf %scan3A_915#6, %mul3A_996 : vector<16xf32>
        %swap3A_998 = arith.constant 1 : i32
        %swap3A_999 = arith.constant 0 : i32
        %swap3A_1000 = arith.constant 0 : i32
        %swap3A_1001 = tpu.memref_slice %run_scoped3A_526[%rem3A_719, %swap3A_999, %swap3A_1000] : memref<2x2x128xf32, #tpu.memory_space<vmem>> -> memref<1x2x128xf32, #tpu.memory_space<vmem>>
        %swap3A_1002 = tpu.memref_squeeze %swap3A_1001 : memref<1x2x128xf32, #tpu.memory_space<vmem>> -> memref<2x128xf32, #tpu.memory_space<vmem>>
        %swap3A_1003 = arith.index_cast %swap3A_998 : i32 to index
        %swap3A_1004 = arith.constant 96 : index
        %swap3A_1005 = tpu.vector_load %swap3A_1002[%swap3A_1003, %swap3A_1004] {strides = array<i32>} : memref<2x128xf32, #tpu.memory_space<vmem>>, vector<1x16xf32>,
        %swap3A_1006 = vector.shape_cast %swap3A_1005 : vector<1x16xf32> to vector<16xf32>
        %swap3A_1007 = vector.shape_cast %mul3A_997 : vector<16xf32> to vector<1x16xf32>
        tpu.vector_store %swap3A_1002[%swap3A_1003, %swap3A_1004], %swap3A_1007 {strides = array<i32>} : memref<2x128xf32, #tpu.memory_space<vmem>>, vector<1x16xf32>,
        %mul3A_1008 = arith.constant 0.0166666675 : f32
        %mul3A_1009 = vector.broadcast %mul3A_1008 : f32 to vector<16xf32>
        %mul3A_1010 = arith.mulf %scan3A_915#7, %mul3A_1009 : vector<16xf32>
        %swap3A_1011 = arith.constant 1 : i32
        %swap3A_1012 = arith.constant 0 : i32
        %swap3A_1013 = arith.constant 0 : i32
        %swap3A_1014 = tpu.memref_slice %run_scoped3A_526[%rem3A_719, %swap3A_1012, %swap3A_1013] : memref<2x2x128xf32, #tpu.memory_space<vmem>> -> memref<1x2x128xf32, #tpu.memory_space<vmem>>
        %swap3A_1015 = tpu.memref_squeeze %swap3A_1014 : memref<1x2x128xf32, #tpu.memory_space<vmem>> -> memref<2x128xf32, #tpu.memory_space<vmem>>
        %swap3A_1016 = arith.index_cast %swap3A_1011 : i32 to index
        %swap3A_1017 = arith.constant 112 : index
        %swap3A_1018 = tpu.vector_load %swap3A_1015[%swap3A_1016, %swap3A_1017] {strides = array<i32>} : memref<2x128xf32, #tpu.memory_space<vmem>>, vector<1x16xf32>,
        %swap3A_1019 = vector.shape_cast %swap3A_1018 : vector<1x16xf32> to vector<16xf32>
        %swap3A_1020 = vector.shape_cast %mul3A_1010 : vector<16xf32> to vector<1x16xf32>
        tpu.vector_store %swap3A_1015[%swap3A_1016, %swap3A_1017], %swap3A_1020 {strides = array<i32>} : memref<2x128xf32, #tpu.memory_space<vmem>>, vector<1x16xf32>,
        "tpu.trace_stop"() : () -> ()
        %ne3A_1021 = arith.cmpi ne, %add3A_649, %add3A_667 : i32
        %or3A_1022 = arith.constant false
        %or3A_1023 = arith.ori %or3A_1022, %ne3A_1021 : i1
        %or3A_1024 = arith.constant false
        %or3A_1025 = arith.ori %or3A_1023, %or3A_1024 : i1
        %or3A_1026 = arith.ori %or3A_1025, %eq3A_648 : i1
        %convert_element_type3A_1027 = arith.extui %or3A_1026 : i1 to i32
        %cond3A_1028 = arith.constant 0 : i32
        %cond3A_1029 = arith.cmpi ne, %convert_element_type3A_1027, %cond3A_1028 : i32
        scf.if %cond3A_1029 {
        } else {
        }
        %and3A_1030 = arith.constant false
        %and3A_1031 = arith.andi %or3A_1026, %and3A_1030 : i1
        %ne3A_1032 = arith.cmpi ne, %add3A_649, %add3A_667 : i32
        %or3A_1033 = arith.constant false
        %or3A_1034 = arith.ori %or3A_1033, %ne3A_1032 : i1
        %or3A_1035 = arith.constant false
        %or3A_1036 = arith.ori %or3A_1034, %or3A_1035 : i1
        %or3A_1037 = arith.ori %or3A_1036, %eq3A_648 : i1
        %convert_element_type3A_1038 = arith.extui %or3A_1037 : i1 to i32
        %cond3A_1039 = arith.constant 0 : i32
        %cond3A_1040 = arith.cmpi ne, %convert_element_type3A_1038, %cond3A_1039 : i32
        scf.if %cond3A_1040 {
          "tpu.trace_start"() <{level = 10 : i32, message = "ep_copy_out"}> : () -> ()
          %rem3A_1092 = arith.constant 2 : i32
          %rem3A_1093 = arith.remui %scan3A_642, %rem3A_1092 : i32
          %mul3A_1094 = arith.constant 2 : i32
          %mul3A_1095 = arith.muli %mul3A_1094, %add3A_649 : i32
          %dma_start3A_1096 = arith.constant 0 : i32
          %dma_start3A_1097 = arith.constant 0 : i32
          %dma_start3A_1098 = tpu.memref_slice %run_scoped3A_526[%rem3A_1093, %dma_start3A_1096, %dma_start3A_1097] : memref<2x2x128xf32, #tpu.memory_space<vmem>> -> memref<1x2x128xf32, #tpu.memory_space<vmem>>
          %dma_start3A_1099 = tpu.memref_squeeze %dma_start3A_1098 : memref<1x2x128xf32, #tpu.memory_space<vmem>> -> memref<2x128xf32, #tpu.memory_space<vmem>>
          %dma_start3A_1100 = arith.constant 0 : i32
          %dma_start3A_1101 = tpu.memref_slice %arg5[%mul3A_1095, %dma_start3A_1100] : memref<4096x128xf32, #tpu.memory_space<hbm>> -> memref<2x128xf32, #tpu.memory_space<hbm>>
          %dma_start3A_1102 = tpu.memref_slice %run_scoped3A_527[%rem3A_1093] : memref<2x!tpu.dma_semaphore, #tpu.memory_space<semaphore_mem>> -> memref<1x!tpu.dma_semaphore, #tpu.memory_space<semaphore_mem>>
          %dma_start3A_1103 = tpu.memref_squeeze %dma_start3A_1102 : memref<1x!tpu.dma_semaphore, #tpu.memory_space<semaphore_mem>> -> memref<!tpu.dma_semaphore, #tpu.memory_space<semaphore_mem>>
          %dma_start3A_1104 = arith.constant 0 : i32
          %dma_start3A_1105 = tpu.memref_slice %arg5[%mul3A_1095, %dma_start3A_1104] : memref<4096x128xf32, #tpu.memory_space<hbm>> -> memref<2x128xf32, #tpu.memory_space<hbm>>
          %dma_start3A_1106 = arith.constant 0 : i32
          %dma_start3A_1107 = arith.constant 0 : i32
          %dma_start3A_1108 = tpu.memref_slice %run_scoped3A_526[%rem3A_1093, %dma_start3A_1106, %dma_start3A_1107] : memref<2x2x128xf32, #tpu.memory_space<vmem>> -> memref<1x2x128xf32, #tpu.memory_space<vmem>>
          %dma_start3A_1109 = tpu.memref_squeeze %dma_start3A_1108 : memref<1x2x128xf32, #tpu.memory_space<vmem>> -> memref<2x128xf32, #tpu.memory_space<vmem>>
          tpu.enqueue_dma source(%dma_start3A_1109 : memref<2x128xf32, #tpu.memory_space<vmem>>) target(%dma_start3A_1105 : memref<2x128xf32, #tpu.memory_space<hbm>>) target_semaphore(%dma_start3A_1103 : memref<!tpu.dma_semaphore, #tpu.memory_space<semaphore_mem>>)
          "tpu.trace_stop"() : () -> ()
        } else {
        }
        %and3A_1041 = arith.constant true
        %and3A_1042 = arith.andi %or3A_1037, %and3A_1041 : i1
        %add3A_1043 = arith.constant 1 : i32
        %add3A_1044 = arith.addi %scan3A_642, %add3A_1043 : i32
        %select_n3A_1045 = arith.select %and3A_1042, %add3A_1044, %scan3A_642 : i32
        %ne3A_1046 = arith.cmpi ne, %add3A_649, %add3A_658 : i32
        %or3A_1047 = arith.constant false
        %or3A_1048 = arith.ori %or3A_1047, %ne3A_1046 : i1
        %or3A_1049 = arith.constant false
        %or3A_1050 = arith.ori %or3A_1048, %or3A_1049 : i1
        %not3A_1051 = arith.constant true
        %not3A_1052 = arith.xori %eq3A_646, %not3A_1051 : i1
        %and3A_1053 = arith.andi %or3A_1050, %not3A_1052 : i1
        %convert_element_type3A_1054 = arith.extui %and3A_1053 : i1 to i32
        %cond3A_1055 = arith.constant 0 : i32
        %cond3A_1056 = arith.cmpi ne, %convert_element_type3A_1054, %cond3A_1055 : i32
        scf.if %cond3A_1056 {
        } else {
        }
        %and3A_1057 = arith.constant false
        %and3A_1058 = arith.andi %and3A_1053, %and3A_1057 : i1
        %ne3A_1059 = arith.cmpi ne, %add3A_649, %add3A_658 : i32
        %or3A_1060 = arith.constant false
        %or3A_1061 = arith.ori %or3A_1060, %ne3A_1059 : i1
        %or3A_1062 = arith.constant false
        %or3A_1063 = arith.ori %or3A_1061, %or3A_1062 : i1
        %not3A_1064 = arith.constant true
        %not3A_1065 = arith.xori %eq3A_646, %not3A_1064 : i1
        %and3A_1066 = arith.andi %or3A_1063, %not3A_1065 : i1
        %convert_element_type3A_1067 = arith.extui %and3A_1066 : i1 to i32
        %cond3A_1068 = arith.constant 0 : i32
        %cond3A_1069 = arith.cmpi ne, %convert_element_type3A_1067, %cond3A_1068 : i32
        scf.if %cond3A_1069 {
          "tpu.trace_start"() <{level = 10 : i32, message = "ep_wait_out"}> : () -> ()
          %rem3A_1092 = arith.constant 2 : i32
          %rem3A_1093 = arith.remui %scan3A_643, %rem3A_1092 : i32
          %mul3A_1094 = arith.constant 2 : i32
          %mul3A_1095 = arith.muli %mul3A_1094, %add3A_658 : i32
          %dma_wait3A_1096 = arith.constant 0 : i32
          %dma_wait3A_1097 = arith.constant 0 : i32
          %dma_wait3A_1098 = tpu.memref_slice %run_scoped3A_526[%rem3A_1093, %dma_wait3A_1096, %dma_wait3A_1097] : memref<2x2x128xf32, #tpu.memory_space<vmem>> -> memref<1x2x128xf32, #tpu.memory_space<vmem>>
          %dma_wait3A_1099 = tpu.memref_squeeze %dma_wait3A_1098 : memref<1x2x128xf32, #tpu.memory_space<vmem>> -> memref<2x128xf32, #tpu.memory_space<vmem>>
          %dma_wait3A_1100 = arith.constant 0 : i32
          %dma_wait3A_1101 = tpu.memref_slice %arg5[%mul3A_1095, %dma_wait3A_1100] : memref<4096x128xf32, #tpu.memory_space<hbm>> -> memref<2x128xf32, #tpu.memory_space<hbm>>
          %dma_wait3A_1102 = tpu.memref_slice %run_scoped3A_527[%rem3A_1093] : memref<2x!tpu.dma_semaphore, #tpu.memory_space<semaphore_mem>> -> memref<1x!tpu.dma_semaphore, #tpu.memory_space<semaphore_mem>>
          %dma_wait3A_1103 = tpu.memref_squeeze %dma_wait3A_1102 : memref<1x!tpu.dma_semaphore, #tpu.memory_space<semaphore_mem>> -> memref<!tpu.dma_semaphore, #tpu.memory_space<semaphore_mem>>
          %dma_wait3A_1104 = arith.constant 0 : i32
          %dma_wait3A_1105 = tpu.memref_slice %arg5[%mul3A_1095, %dma_wait3A_1104] : memref<4096x128xf32, #tpu.memory_space<hbm>> -> memref<2x128xf32, #tpu.memory_space<hbm>>
          %dma_wait3A_1106 = arith.constant 0 : i32
          %dma_wait3A_1107 = arith.constant 0 : i32
          %dma_wait3A_1108 = tpu.memref_slice %run_scoped3A_526[%rem3A_1093, %dma_wait3A_1106, %dma_wait3A_1107] : memref<2x2x128xf32, #tpu.memory_space<vmem>> -> memref<1x2x128xf32, #tpu.memory_space<vmem>>
          %dma_wait3A_1109 = tpu.memref_squeeze %dma_wait3A_1108 : memref<1x2x128xf32, #tpu.memory_space<vmem>> -> memref<2x128xf32, #tpu.memory_space<vmem>>
          tpu.wait_dma2 semaphore(%dma_wait3A_1103 : memref<!tpu.dma_semaphore, #tpu.memory_space<semaphore_mem>>) src(%dma_wait3A_1109 : memref<2x128xf32, #tpu.memory_space<vmem>>) dst(%dma_wait3A_1105 : memref<2x128xf32, #tpu.memory_space<hbm>>)
          "tpu.trace_stop"() : () -> ()
        } else {
        }
        %and3A_1070 = arith.constant true
        %and3A_1071 = arith.andi %and3A_1066, %and3A_1070 : i1
        %add3A_1072 = arith.constant 1 : i32
        %add3A_1073 = arith.addi %scan3A_643, %add3A_1072 : i32
        %select_n3A_1074 = arith.select %and3A_1071, %add3A_1073, %scan3A_643 : i32
        %ne3A_1075 = arith.cmpi ne, %add3A_649, %add3A_667 : i32
        %or3A_1076 = arith.constant false
        %or3A_1077 = arith.ori %or3A_1076, %ne3A_1075 : i1
        %or3A_1078 = arith.constant false
        %or3A_1079 = arith.ori %or3A_1077, %or3A_1078 : i1
        %or3A_1080 = arith.ori %or3A_1079, %eq3A_648 : i1
        %add3A_1081 = arith.constant 1 : i32
        %add3A_1082 = arith.addi %scan3A_641, %add3A_1081 : i32
        %select_n3A_1083 = arith.select %or3A_1080, %add3A_1082, %scan3A_641 : i32
        %add3A_1084 = arith.constant 1 : i32
        %add3A_1085 = arith.addi %scan3A_644, %add3A_1084 : i32
        %select_n3A_1086 = arith.constant true
        %select_n3A_1087 = arith.select %select_n3A_1086, %add3A_1085, %scan3A_644 : i32
        %eq3A_1088 = arith.constant 64 : i32
        %eq3A_1089 = arith.cmpi eq, %select_n3A_1087, %eq3A_1088 : i32
        %select_n3A_1090 = arith.constant 0 : i32
        %select_n3A_1091 = arith.select %eq3A_1089, %select_n3A_1090, %select_n3A_1087 : i32
        scf.yield %select_n3A_687, %select_n3A_1083, %select_n3A_1045, %select_n3A_1074, %select_n3A_1091 : i32, i32, i32, i32, i32
      }
      %scan3A_586 = arith.constant 64 : i32
      %sub3A = arith.constant 1 : i32
      %sub3A_587 = arith.subi %scan3A_585#4, %sub3A : i32
      %select_n3A_588 = arith.constant true
      %select_n3A_589 = arith.select %select_n3A_588, %sub3A_587, %scan3A_585#4 : i32
      %eq3A_590 = arith.constant -1 : i32
      %eq3A_591 = arith.cmpi eq, %select_n3A_589, %eq3A_590 : i32
      %select_n3A_592 = arith.constant 63 : i32
      %select_n3A_593 = arith.select %eq3A_591, %select_n3A_592, %select_n3A_589 : i32
      %add3A_594 = arith.addi %select_n3A_593, %mul3A_524 : i32
      %sub3A_595 = arith.constant 1 : i32
      %sub3A_596 = arith.subi %select_n3A_593, %sub3A_595 : i32
      %select_n3A_597 = arith.constant true
      %select_n3A_598 = arith.select %select_n3A_597, %sub3A_596, %select_n3A_593 : i32
      %eq3A_599 = arith.constant -1 : i32
      %eq3A_600 = arith.cmpi eq, %select_n3A_598, %eq3A_599 : i32
      %select_n3A_601 = arith.constant 63 : i32
      %select_n3A_602 = arith.select %eq3A_600, %select_n3A_601, %select_n3A_598 : i32
      %add3A_603 = arith.addi %select_n3A_602, %mul3A_524 : i32
      %add3A_604 = arith.constant 1 : i32
      %add3A_605 = arith.addi %select_n3A_593, %add3A_604 : i32
      %select_n3A_606 = arith.constant true
      %select_n3A_607 = arith.select %select_n3A_606, %add3A_605, %select_n3A_593 : i32
      %eq3A_608 = arith.constant 64 : i32
      %eq3A_609 = arith.cmpi eq, %select_n3A_607, %eq3A_608 : i32
      %select_n3A_610 = arith.constant 0 : i32
      %select_n3A_611 = arith.select %eq3A_609, %select_n3A_610, %select_n3A_607 : i32
      %add3A_612 = arith.addi %select_n3A_611, %mul3A_524 : i32
      %add3A_613 = arith.constant 1 : i32
      %add3A_614 = arith.addi %select_n3A_611, %add3A_613 : i32
      %select_n3A_615 = arith.constant true
      %select_n3A_616 = arith.select %select_n3A_615, %add3A_614, %select_n3A_611 : i32
      %eq3A_617 = arith.constant 64 : i32
      %eq3A_618 = arith.cmpi eq, %select_n3A_616, %eq3A_617 : i32
      %select_n3A_619 = arith.constant 0 : i32
      %select_n3A_620 = arith.select %eq3A_618, %select_n3A_619, %select_n3A_616 : i32
      %add3A_621 = arith.addi %select_n3A_620, %mul3A_524 : i32
      "tpu.trace_start"() <{level = 10 : i32, message = "ep_finalize"}> : () -> ()
      %rem3A_622 = arith.constant 2 : i32
      %rem3A_623 = arith.remui %scan3A_585#3, %rem3A_622 : i32
      %mul3A_624 = arith.constant 2 : i32
      %mul3A_625 = arith.muli %mul3A_624, %add3A_594 : i32
      %dma_wait3A = arith.constant 0 : i32
      %dma_wait3A_626 = arith.constant 0 : i32
      %dma_wait3A_627 = tpu.memref_slice %run_scoped3A_526[%rem3A_623, %dma_wait3A, %dma_wait3A_626] : memref<2x2x128xf32, #tpu.memory_space<vmem>> -> memref<1x2x128xf32, #tpu.memory_space<vmem>>
      %dma_wait3A_628 = tpu.memref_squeeze %dma_wait3A_627 : memref<1x2x128xf32, #tpu.memory_space<vmem>> -> memref<2x128xf32, #tpu.memory_space<vmem>>
      %dma_wait3A_629 = arith.constant 0 : i32
      %dma_wait3A_630 = tpu.memref_slice %arg5[%mul3A_625, %dma_wait3A_629] : memref<4096x128xf32, #tpu.memory_space<hbm>> -> memref<2x128xf32, #tpu.memory_space<hbm>>
      %dma_wait3A_631 = tpu.memref_slice %run_scoped3A_527[%rem3A_623] : memref<2x!tpu.dma_semaphore, #tpu.memory_space<semaphore_mem>> -> memref<1x!tpu.dma_semaphore, #tpu.memory_space<semaphore_mem>>
      %dma_wait3A_632 = tpu.memref_squeeze %dma_wait3A_631 : memref<1x!tpu.dma_semaphore, #tpu.memory_space<semaphore_mem>> -> memref<!tpu.dma_semaphore, #tpu.memory_space<semaphore_mem>>
      %dma_wait3A_633 = arith.constant 0 : i32
      %dma_wait3A_634 = tpu.memref_slice %arg5[%mul3A_625, %dma_wait3A_633] : memref<4096x128xf32, #tpu.memory_space<hbm>> -> memref<2x128xf32, #tpu.memory_space<hbm>>
      %dma_wait3A_635 = arith.constant 0 : i32
      %dma_wait3A_636 = arith.constant 0 : i32
      %dma_wait3A_637 = tpu.memref_slice %run_scoped3A_526[%rem3A_623, %dma_wait3A_635, %dma_wait3A_636] : memref<2x2x128xf32, #tpu.memory_space<vmem>> -> memref<1x2x128xf32, #tpu.memory_space<vmem>>
      %dma_wait3A_638 = tpu.memref_squeeze %dma_wait3A_637 : memref<1x2x128xf32, #tpu.memory_space<vmem>> -> memref<2x128xf32, #tpu.memory_space<vmem>>
      tpu.wait_dma2 semaphore(%dma_wait3A_632 : memref<!tpu.dma_semaphore, #tpu.memory_space<semaphore_mem>>) src(%dma_wait3A_638 : memref<2x128xf32, #tpu.memory_space<vmem>>) dst(%dma_wait3A_634 : memref<2x128xf32, #tpu.memory_space<hbm>>)
      "tpu.trace_stop"() : () -> ()
      tpu.yield
    }) : () -> ()
    return
  }
}

module attributes {stable_mosaic.version = 14 : i64} {
  func.func @_tc_matmul_t_kernel(%arg0: i32, %arg1: memref<512x128xf32, #tpu.memory_space<vmem>>, %arg2: memref<128x4096xf32, #tpu.memory_space<vmem>>, %arg3: memref<512x1xf32, #tpu.memory_space<vmem>>, %arg4: memref<512x4096xf32, #tpu.memory_space<vmem>>) attributes {dimension_semantics = [#tpu.dimension_semantics<arbitrary>], iteration_bounds = array<i64: 196>, scalar_prefetch = 0 : i64, scratch_operands = 0 : i64, tpu.core_type = #tpu.core_type<tc>, window_params = [{transform_indices = @transform_0, window_bounds = array<i64: 512, 128>}, {pipeline_mode = #tpu.pipeline_mode<synchronous>, transform_indices = @transform_1, window_bounds = array<i64: 128, 4096>}, {transform_indices = @transform_2, window_bounds = array<i64: 512, 1>}, {transform_indices = @transform_3, window_bounds = array<i64: 512, 4096>}]} {
    %get3A = arith.constant 0 : index
    %get3A_0 = arith.constant 0 : index
    %get3A_1 = vector.load %arg1[%get3A, %get3A_0] : memref<512x128xf32, #tpu.memory_space<vmem>>, vector<512x128xf32>
    %get3A_2 = arith.constant 0 : index
    %get3A_3 = arith.constant 0 : index
    %get3A_4 = vector.load %arg2[%get3A_2, %get3A_3] : memref<128x4096xf32, #tpu.memory_space<vmem>>, vector<128x4096xf32>
    %dot_general3A = arith.constant dense<0.000000e+00> : vector<512x4096xf32>
    %dot_general3A_5 = tpu.matmul %get3A_1, %get3A_4, %dot_general3A {dimension_numbers = #tpu.dot_dimension_numbers<[1], [0], [0], [1], [0, 0, 1, 1], [], []>, transpose_lhs_hint = false} : vector<512x128xf32>, vector<128x4096xf32>, vector<512x4096xf32> -> vector<512x4096xf32>
    %get3A_6 = arith.constant 0 : index
    %get3A_7 = arith.constant 0 : index
    %get3A_8 = vector.load %arg3[%get3A_6, %get3A_7] : memref<512x1xf32, #tpu.memory_space<vmem>>, vector<512x1xf32>
    %add3A = vector.broadcast %get3A_8 : vector<512x1xf32> to vector<512x4096xf32>
    %add3A_9 = arith.addf %dot_general3A_5, %add3A : vector<512x4096xf32>
    %swap3A = arith.constant 0 : index
    %swap3A_10 = arith.constant 0 : index
    %swap3A_11 = vector.load %arg4[%swap3A, %swap3A_10] : memref<512x4096xf32, #tpu.memory_space<vmem>>, vector<512x4096xf32>
    tpu.vector_store %arg4[%swap3A, %swap3A_10], %add3A_9 {strides = array<i32>} : memref<512x4096xf32, #tpu.memory_space<vmem>>, vector<512x4096xf32>,
    return
  }
  func.func @transform_0(%arg0: i32) -> (i32, i32) {
    %c0_i32 = arith.constant 0 : i32
    %c0_i32_0 = arith.constant 0 : i32
    return %arg0, %c0_i32 : i32, i32
  }
  func.func @transform_1(%arg0: i32) -> (i32, i32) {
    %c0_i32 = arith.constant 0 : i32
    %c0_i32_0 = arith.constant 0 : i32
    %c0_i32_1 = arith.constant 0 : i32
    return %c0_i32, %c0_i32_0 : i32, i32
  }
  func.func @transform_2(%arg0: i32) -> (i32, i32) {
    %c0_i32 = arith.constant 0 : i32
    %c0_i32_0 = arith.constant 0 : i32
    return %arg0, %c0_i32 : i32, i32
  }
  func.func @transform_3(%arg0: i32) -> (i32, i32) {
    %c0_i32 = arith.constant 0 : i32
    %c0_i32_0 = arith.constant 0 : i32
    return %arg0, %c0_i32 : i32, i32
  }
}

</mosaic_0001>

<sc_bundles>
// kernel: kernel.4.cloned.1.call-start
scs
__scs_entry_jumppad:
0x0: {  	(pc) =	sbr.rel $0x88, $3  }
0x1: {  	(tag) =	ssettag $0x0;
	lr =	simm.s32 $0x1  }
0x2: {  	[smem:$0x3F9C] =	sst lr;
	_ =	strace $0xD0000000  }
0x3: {  	_ = 	snop  }
0x4: {  	_ = 	snop  }
0x5: {  	_ = 	snop  }
0x6: {  	_ = 	snop  }
0x7: {  	_ = 	snop  }
__scs_overlays_trampoline_lowered:
0x8: {  	[smem:$0x3FAB] =	sst s0  }
0x9: {  	[smem:$0x3FAC] =	sst s1  }
0xa: {  	[smem:$0x3FAD] =	sst s2  }
0xb: {  	[smem:$0x3FAE] =	sst s3  }
0xc: {  	[smem:$0x3FAF] =	sst s4  }
0xd: {  	[smem:$0x3FB0] =	sst s5  }
0xe: {  	[smem:$0x3FB1] =	sst s6  }
0xf: {  	[smem:$0x3FB2] =	sst s7  }
0x10: {  	[smem:$0x3FB3] =	sst s8  }
0x11: {  	[smem:$0x3FB4] =	sst s9;
	s0 =	simm.s32 @!p0 $0x0  }
0x12: {  	s1 =	sld [smem:$0x3F9A];
	s0 =	simm.s32 @p0 $0x1  }
0x13: {  	[smem:$0x3FB5] =	sst s0;
	s0 =	simm.s32 @!p1 $0x0  }
0x14: {  	s2 =	sld [smem:$0x3F99];
	s0 =	simm.s32 @p1 $0x1  }
0x15: {  	[smem:$0x3FB6] =	sst s0;
	s0 =	simm.s32 @!p2 $0x0  }
0x16: {  	s3 =	sld [smem:$0x3FDB];
	s0 =	simm.s32 @p2 $0x1  }
0x17: {  	s4 =	simm.s32 $0x1BF5;
	[smem:$0x3FB8] =	sst s0  }
0x18: {  	s0 =	sld [smem:$0x3F9B];
	_ =	swait.ge [sflag:s4], $0x0  }
0x19: {  	s7 =	sld [smem:$0x3F9C]  }
0x1a: {  	s8 =	sadd.s32 $0xFFFFE003, lr  }
0x1b: {  	s9 =	sadd.s32 $0xFFFFFEF7, lr;
	s5 =	simm.s32 $0xFFFFFFFF;
	p2 =	slt.u32 s8, $0xFFFFF086  }
0x1c: {  	p1 =	slt.u32 s9, $0xF7A;
	s5 =	simm.s32 @!p2 $0x0  }
0x1d: {  	s5 =	simm.s32 @p1 $0x1;
	p0 =	seq.s32 s7, s2  }
0x1e: {  	s7 =	smul.u32 @!p0 $0xF7A, s2;
	p2 =	seq.s32 @!p0 s5, $0x0  }
0x1f: {  	s9 =	smul.u32 $0xF7A, s1;
	s8 =	simm.s32 @!p0 $0x1BF5;
	p2 =	por !p2, p0  }
0x20: {  	[sflag:s8] =	ssyncset.s32 @!p0 $0xFFFFF086;
	s6 =	sadd.s32 @!p0 s3, s7;
	s7 =	simm.s32 @!p0 $0x108  }
0x21: {  	s3 =	sadd.s32 s3, s9;
	s6 =	sadd.s32 @!p0 $0x88, s6;
	s7 =	simm.s32 @p2 $0x1082  }
0x22: {  	[simem:s7], [sflag:s8] =	dma.local @!p0 [hbm:s6], $0xF7A  }
0x23: {  	s9 =	sor.u32 $0xD0000000, s2;
	s6 =	simm.s32 $0x108;
	_ =	swait.ge @!p0 [sflag:s8], $0x0  }
0x24: {  	s3 =	sadd.s32 $0x88, s3;
	s6 =	simm.s32 @!p1 $0x1082;
	[sflag:s4] =	ssyncset.s32 $0xFFFFF086  }
0x25: {  	[simem:s6], [sflag:s4] =	dma.local [hbm:s3], $0xF7A  }
0x26: {  	[smem:$0x3F9C] =	sst s1;
	(tag) =	ssettag s2;
	_ =	strace s9  }
0x27: {  	s1 =	sld [smem:$0x3FAC]  }
0x28: {  	s2 =	sld [smem:$0x3FAD]  }
0x29: {  	s4 =	sld [smem:$0x3FAF]  }
0x2a: {  	p0 =	seq.s32 s5, $0x0;
	s5 =	sld [smem:$0x3FB0]  }
0x2b: {  	s6 =	sld [smem:$0x3FB1]  }
0x2c: {  	s7 =	sld [smem:$0x3FB2]  }
0x2d: {  	s3 =	simm.s32 $0x108;
	s8 =	sld [smem:$0x3FB3]  }
0x2e: {  	s3 =	simm.s32 @!p0 $0x1082;
	s9 =	sld [smem:$0x3FB4]  }
0x2f: {  	lr =	sadd.s32 s0, s3;
	s0 =	sld [smem:$0x3FAB]  }
0x30: {  	s3 =	sld [smem:$0x3FAE]  }
0x31: {  	[smem:$0x3FB7] =	sst s10  }
0x32: {  	s10 =	sld [smem:$0x3FB5];
	_ =	sdelay $0x3  }
0x33: {  	p0 =	seq.s32 s10, $0x1;
	s10 =	sld [smem:$0x3FB7];
	_ =	sdelay $0x3  }
0x34: {  	[smem:$0x3FB7] =	sst s10  }
0x35: {  	s10 =	sld [smem:$0x3FB6];
	_ =	sdelay $0x3  }
0x36: {  	p1 =	seq.s32 s10, $0x1;
	s10 =	sld [smem:$0x3FB7];
	_ =	sdelay $0x3  }
0x37: {  	[smem:$0x3FB7] =	sst s10  }
0x38: {  	s10 =	sld [smem:$0x3FB8]  }
0x39: {  	_ = 	snop;
	(pc) =	sbr.ind lr, $3  }
0x3a: {  	_ = 	snop  }
0x3b: {  	_ = 	snop  }
0x3c: {  	p2 =	seq.s32 s10, $0x1;
	s10 =	sld [smem:$0x3FB7]  }
0x3d: {  	_ =	shalt  }
0x3e: {  	_ =	shalt  }
0x3f: {  	_ =	shalt  }
0x40: {  	_ =	shalt  }
0x41: {  	_ =	shalt  }
0x42: {  	_ =	shalt  }
0x43: {  	_ =	shalt  }
0x44: {  	_ =	shalt  }
0x45: {  	_ =	shalt  }
0x46: {  	_ =	shalt  }
0x47: {  	_ =	shalt  }
0x48: {  	_ =	shalt  }
0x49: {  	_ =	shalt  }
0x4a: {  	_ =	shalt  }
0x4b: {  	_ =	shalt  }
0x4c: {  	_ =	shalt  }
0x4d: {  	_ =	shalt  }
0x4e: {  	_ =	shalt  }
0x4f: {  	_ =	shalt  }
0x50: {  	_ =	shalt  }
0x51: {  	_ =	shalt  }
0x52: {  	_ =	shalt  }
0x53: {  	_ =	shalt  }
0x54: {  	_ =	shalt  }
0x55: {  	_ =	shalt  }
0x56: {  	_ =	shalt  }
0x57: {  	_ =	shalt  }
0x58: {  	_ =	shalt  }
0x59: {  	_ =	shalt  }
0x5a: {  	_ =	shalt  }
0x5b: {  	_ =	shalt  }
0x5c: {  	_ =	shalt  }
0x5d: {  	_ =	shalt  }
0x5e: {  	_ =	shalt  }
0x5f: {  	_ =	shalt  }
0x60: {  	_ =	shalt  }
0x61: {  	_ =	shalt  }
0x62: {  	_ =	shalt  }
0x63: {  	_ =	shalt  }
0x64: {  	_ =	shalt  }
0x65: {  	_ =	shalt  }
0x66: {  	_ =	shalt  }
0x67: {  	_ =	shalt  }
0x68: {  	_ =	shalt  }
0x69: {  	_ =	shalt  }
0x6a: {  	_ =	shalt  }
0x6b: {  	_ =	shalt  }
0x6c: {  	_ =	shalt  }
0x6d: {  	_ =	shalt  }
0x6e: {  	_ =	shalt  }
0x6f: {  	_ =	shalt  }
0x70: {  	_ =	shalt  }
0x71: {  	_ =	shalt  }
0x72: {  	_ =	shalt  }
0x73: {  	_ =	shalt  }
0x74: {  	_ =	shalt  }
0x75: {  	_ =	shalt  }
0x76: {  	_ =	shalt  }
0x77: {  	_ =	shalt  }
0x78: {  	_ =	shalt  }
0x79: {  	_ =	shalt  }
0x7a: {  	_ =	shalt  }
0x7b: {  	_ =	shalt  }
0x7c: {  	_ =	shalt  }
0x7d: {  	_ =	shalt  }
0x7e: {  	_ =	shalt  }
0x7f: {  	_ =	shalt  }
0x80: {  	_ =	shalt  }
0x81: {  	_ =	shalt  }
0x82: {  	_ =	shalt  }
0x83: {  	_ =	shalt  }
0x84: {  	_ =	shalt  }
0x85: {  	_ =	shalt  }
0x86: {  	_ =	shalt  }
0x87: {  	_ =	shalt  }
.Lfunc_end0:
.L_simem_size_0:
called_computation_lowered:
.L_overlay_start_0:
0x88: {  	s2 =	sld [smem:$0x3FD9]  }
0x89: {  	s3 =	sld [smem:$0x3FFE];
	_ =	sdelay $0x1  }
0x8a: {  	s1 =	srdreg.scid  }
0x8b: {  	s0 =	sand.u32 $0x1, s1  }
0x8c: {  	s17 =	sshll.u32 s0, $0xA;
	s2 =	sadd.s32 s3, s2  }
0x8d: {  	s2 =	sadd.s32 s2, s17  }
0x8e: {  	[smem:$0x3FC3] =	sst s2  }
0x8f: {  	_ = 	snop  }
0x90: {  	s2 =	sld [smem:$0x3FC8]  }
0x91: {  	s18 =	sld [smem:$0x3FC7]  }
0x92: {  	s4 =	sld [smem:$0x3FD0];
	(tm) =	ssettm $0x1  }
0x93: {  	s5 =	sld [smem:$0x3FFB];
	_ =	sdelay $0x3  }
0x94: {  	_ =	strace s5  }
0x95: {  	s5 =	sld [smem:$0x3FFC];
	_ =	sdelay $0x3  }
0x96: {  	_ =	strace s5  }
0x97: {  	s5 =	sld [smem:$0x3FFD];
	_ =	sdelay $0x3  }
0x98: {  	_ =	strace s5  }
0x99: {  	_ =	strace $0x8FFFFFFF  }
0x9a: {  	s19 =	sld [smem:$0x3FDB];
	_ =	sdelay $0x1  }
0x9b: {  	s6 =	simm.s32 $_scs_section_size  }
0x9c: {  	s7 =	simm.s32 $_size__tile_overlayer_lowered;
	s8 =	simm.s32 $_tile_overlayer_lowered  }
0x9d: {  	s22 =	simm.s32 $0x1BFF;
	s21 =	sshll.u32 s8, $0x1;
	s5 =	sadd.s32 s6, s19  }
0x9e: {  	s9 =	simm.s32 $0x0;
	s20 =	sshll.u32 s7, $0x1;
	s7 =	sadd.s32 s21, s5  }
0x9f: {  	[timem:s9], [sflag:s22] =	dma.local [hbm:s7], s20  }
0xa0: {  	_ =	swait.ge [sflag:s22], s20  }
0xa1: {  	s6 =	ssub.s32 $0x0, s20;
	[sflag:s22] =	ssyncset.done $0x0  }
0xa2: {  	[sflag:s22] =	ssyncadd.s32 s6;
	_ =	sdelay $0x1  }
0xa3: {  	s23 =	simm.s32 $0x1B8B  }
0xa4: {  	_ =	swait.ge [sflag:s23], $0x1  }
0xa5: {  	[sflag:s23] =	ssyncset.done $0x0  }
0xa6: {  	s25 =	simm.s32 $0x1B8E;
	s24 =	sld [smem:$0x3FFE];
	[sflag:s23] =	ssyncadd.s32 $0xFFFFFFFF  }
0xa7: {  	s26 =	simm.s32 $execute0_lowered;
	[smem:$0x3FD2] =	sst s25  }
0xa8: {  	s7 =	sshll.u32 s26, $0x1;
	_ =	strace $0x80000046;
	[dreg:$0x1] =	wrdreg $0xFFFFFFFF  }
0xa9: {  	s28 =	simm.s32 $_size_execute0_lowered;
	s5 =	sadd.s32 s5, s7;
	[dreg:$0x0] =	wrdreg $0x0  }
0xaa: {  	s7 =	sshll.u32 s28, $0x1;
	[dreg:$0x2] =	wrdreg s5  }
0xab: {  	[dreg:$0x3] =	wrdreg s7  }
0xac: {  	[dreg:$0x4] =	wrdreg $0xC0  }
0xad: {  	_ =	task [dreg:s9], $0x5FFFF  }
0xae: {  	[dreg:$0x1] =	wrdreg $0xFFFFFFFF  }
0xaf: {  	[dreg:$0x0] =	wrdreg $0x60  }
0xb0: {  	[dreg:$0x2] =	wrdreg s24  }
0xb1: {  	[dreg:$0x3] =	wrdreg s2  }
0xb2: {  	[dreg:$0x4] =	wrdreg s18  }
0xb3: {  	[dreg:$0x5] =	wrdreg s4  }
0xb4: {  	[dreg:$0x6] =	wrdreg $0x9  }
0xb5: {  	_ =	task.clear_ibuf [dreg:s9], $0x7FFFF;
	_ =	strace $0x90000046  }
0xb6: {  	s29 =	simm.s32 $0x9;
	_ =	strace $0x8000004F  }
0xb7: {  	_ =	swait.ge [sflag:s29], $0x1  }
0xb8: {  	[sflag:s29] =	ssyncadd.s32 $0xFFFFFFFF  }
0xb9: {  	_ =	strace $0x9000004F  }
0xba: {  	_ =	sfence  }
0xbb: {  	s30 =	sld [smem:$0x0];
	_ =	sdelay $0x2  }
0xbc: {  	s31 =	sshll.u32 s1, $0xD;
	s1 =	sshrl.u32 s1, $0x2  }
0xbd: {  	s3 =	sand.u32 $0x4000, s31;
	s1 =	sadd.s32 s1, s30  }
0xbe: {  	s0 =	sor.u32 s3, s0;
	s1 =	sshll.u32 s1, $0x11  }
0xbf: {  	s0 =	sor.u32 s1, s0  }
0xc0: {  	s0 =	sadd.s32 $0x8F2B, s0  }
0xc1: {  	[sflag:s0] =	ssyncadd.remote.s32 $0x1  }
0xc2: {  	_ =	sfence.sel $0xFFFF  }
0xc3: {  	[dreg:$0x0] =	wrdreg $0xFFFFFFFF;
	(pc) =	sbr.abs _section_cstart, $3  }
0xc4: {  	[dreg:$0x1] =	wrdreg $0xFFFFFFFF  }
0xc5: {  	_ =	task.clear_ibuf [dreg:s9], $0x2FFFF;
	_ =	strace $0x9FFFFFFF  }
0xc6: {  	(tm) =	ssettm $0x7FFFFFFF  }
0xc7: {  	_ =	shalt  }
tec
execute0_lowered:
.L_overlay_start_1:
0x0: {  	(tag) =	ssettag $0x1  }
0x1: {  	s7 =	rddreg [dreg:$0x0]  }
0x2: {  	s1 =	rddreg [dreg:$0x1]  }
0x3: {  	s2 =	rddreg [dreg:$0x2]  }
0x4: {  	s3 =	rddreg [dreg:$0x3]  }
0x5: {  	s0 =	rddreg [dreg:$0x4]  }
0x6: {  	s5 =	simm.s32 $0x0;
	s6 =	srdreg.scid;
	s4 =	stileid.u32  }
0x7: {  	s11 =	simm.s32 $0x3C80;
	s12 =	simm.s32 $0x64;
	s13 =	simm.s32 $0x6  }
0x8: {  	s14 =	simm.s32 $0x1;
	s15 =	simm.s32 $0x5;
	s16 =	simm.s32 $0x0  }
0x9: {  	s31 =	simm.s32 $0x0;
	[smem:$0x7FF] =	sst s5;
	s6 =	sand.u32 $0x1, s6  }
0xa: {  	s9 =	sshll.u32 s4, $0x6;
	s8 =	ssub.s32 $0x2, s6;
	s6 =	sshll.u32 s6, $0xA  }
0xb: {  	s7 =	sadd.s32 $0x600, s7;
	s10 =	sshrl.u32 s8, $0x1;
	s6 =	sor.u32 s9, s6  }
0xc: {  	_ =	strace $0x80000047;
	s29 =	ssub.s32 s8, s10;
	s30 =	sshll.u32 s6, $0x4  }
0xd: {  	s10 =	simm.s32 $0x3400;
	s8 =	sadd.s32 s7, s30;
	s9 =	smax.u32 s29, $0x1  }
.LBB2_1:
0xe: {  	[tilespmem:s10], [sflag:$0x1] =	stream.linear.gather [hbm4b:s2+s5], $0x500, $0x38;
	[tilespmem:$0x3F80] =	vst v63  }
0xf: {  	_ =	swait.ge [sflag:s14], $0x500  }
0x10: {  	[sflag:s14] =	ssyncset.done $0x0  }
0x11: {  	[sflag:s14] =	ssyncadd.s32 $0xFFFFFB00  }
0x12: {  	v0 =	vld [tilespmem:$0x3400]  }
0x13: {  	v1 =	vld [tilespmem:$0x3480]  }
0x14: {  	v2 =	vld [tilespmem:$0x3500]  }
0x15: {  	v3 =	vld [tilespmem:$0x3580]  }
0x16: {  	v4 =	vld [tilespmem:$0x3600]  }
0x17: {  	v5 =	vld [tilespmem:$0x3680]  }
0x18: {  	v6 =	vld [tilespmem:$0x3700]  }
0x19: {  	v7 =	vld [tilespmem:$0x3780]  }
0x1a: {  	v8 =	vld [tilespmem:$0x3800]  }
0x1b: {  	v9 =	vld [tilespmem:$0x3880]  }
0x1c: {  	v10 =	vld [tilespmem:$0x3410]  }
0x1d: {  	v11 =	vld [tilespmem:$0x3490]  }
0x1e: {  	v12 =	vld [tilespmem:$0x3510]  }
0x1f: {  	v13 =	vld [tilespmem:$0x3590]  }
0x20: {  	v14 =	vld [tilespmem:$0x3610]  }
0x21: {  	v15 =	vld [tilespmem:$0x3690]  }
0x22: {  	v16 =	vld [tilespmem:$0x3710]  }
0x23: {  	v17 =	vld [tilespmem:$0x3790]  }
0x24: {  	v18 =	vld [tilespmem:$0x3810]  }
0x25: {  	v19 =	vld [tilespmem:$0x3890]  }
0x26: {  	v20 =	vld [tilespmem:$0x3420]  }
0x27: {  	v21 =	vld [tilespmem:$0x34A0]  }
0x28: {  	v22 =	vld [tilespmem:$0x3520]  }
0x29: {  	v23 =	vld [tilespmem:$0x35A0]  }
0x2a: {  	v24 =	vld [tilespmem:$0x3620]  }
0x2b: {  	v25 =	vld [tilespmem:$0x36A0]  }
0x2c: {  	v26 =	vld [tilespmem:$0x3720]  }
0x2d: {  	v27 =	vld [tilespmem:$0x37A0]  }
0x2e: {  	v28 =	vld [tilespmem:$0x3820]  }
0x2f: {  	v29 =	vld [tilespmem:$0x38A0]  }
0x30: {  	v30 =	vld [tilespmem:$0x3430]  }
0x31: {  	v31 =	vld [tilespmem:$0x34B0]  }
0x32: {  	v32 =	vld [tilespmem:$0x3530]  }
0x33: {  	v33 =	vld [tilespmem:$0x35B0]  }
0x34: {  	v34 =	vld [tilespmem:$0x3630]  }
0x35: {  	v35 =	vld [tilespmem:$0x36B0]  }
0x36: {  	v36 =	vld [tilespmem:$0x3730]  }
0x37: {  	v37 =	vld [tilespmem:$0x37B0]  }
0x38: {  	v38 =	vld [tilespmem:$0x3830]  }
0x39: {  	v39 =	vld [tilespmem:$0x38B0]  }
0x3a: {  	v40 =	vld [tilespmem:$0x3440]  }
0x3b: {  	v41 =	vld [tilespmem:$0x34C0]  }
0x3c: {  	v42 =	vld [tilespmem:$0x3540]  }
0x3d: {  	v43 =	vld [tilespmem:$0x35C0]  }
0x3e: {  	v44 =	vld [tilespmem:$0x3640]  }
0x3f: {  	v45 =	vld [tilespmem:$0x36C0]  }
0x40: {  	v46 =	vld [tilespmem:$0x3740]  }
0x41: {  	v57 =	vld [tilespmem:$0x3450]  }
0x42: {  	v58 =	vld [tilespmem:$0x34D0];
	v0 =	vadd.f32 v1, v0;
	v10 =	vadd.f32 v11, v10  }
0x43: {  	v59 =	vld [tilespmem:$0x3550];
	v55 =	vadd.f32 v21, v20;
	v56 =	vadd.f32 v31, v30  }
0x44: {  	v60 =	vld [tilespmem:$0x35D0];
	v0 =	vadd.f32 v2, v0;
	v10 =	vadd.f32 v12, v10  }
0x45: {  	v61 =	vld [tilespmem:$0x3650];
	v2 =	vadd.f32 v22, v55;
	v12 =	vadd.f32 v32, v56  }
0x46: {  	v62 =	vld [tilespmem:$0x36D0];
	v0 =	vadd.f32 v3, v0;
	v10 =	vadd.f32 v13, v10  }
0x47: {  	v63 =	vld [tilespmem:$0x3750];
	v2 =	vadd.f32 v23, v2;
	v12 =	vadd.f32 v33, v12  }
0x48: {  	v47 =	vld [tilespmem:$0x36E0];
	v3 =	vadd.f32 v58, v57;
	v0 =	vadd.f32 v4, v0  }
0x49: {  	v48 =	vld [tilespmem:$0x36F0];
	v10 =	vadd.f32 v14, v10;
	v2 =	vadd.f32 v24, v2  }
0x4a: {  	v49 =	vld [tilespmem:$0x3760];
	v12 =	vadd.f32 v34, v12;
	v3 =	vadd.f32 v59, v3  }
0x4b: {  	v51 =	vld [tilespmem:$0x3770];
	v0 =	vadd.f32 v5, v0;
	v10 =	vadd.f32 v15, v10  }
0x4c: {  	v52 =	vld [tilespmem:$0x37E0];
	v2 =	vadd.f32 v25, v2;
	v12 =	vadd.f32 v35, v12  }
0x4d: {  	v53 =	vld [tilespmem:$0x37F0];
	v3 =	vadd.f32 v60, v3;
	v0 =	vadd.f32 v6, v0  }
0x4e: {  	v31 =	vld [tilespmem:$0x3460];
	v10 =	vadd.f32 v16, v10;
	v2 =	vadd.f32 v26, v2  }
0x4f: {  	v32 =	vld [tilespmem:$0x34E0];
	v12 =	vadd.f32 v36, v12;
	v36 =	vadd.f32 v41, v40  }
0x50: {  	v33 =	vld [tilespmem:$0x3470];
	v3 =	vadd.f32 v61, v3;
	v0 =	vadd.f32 v7, v0  }
0x51: {  	v34 =	vld [tilespmem:$0x34F0];
	v10 =	vadd.f32 v17, v10;
	v12 =	vadd.f32 v37, v12  }
0x52: {  	v35 =	vld [tilespmem:$0x3560];
	v2 =	vadd.f32 v27, v2;
	v22 =	vadd.f32 v42, v36  }
0x53: {  	v37 =	vld [tilespmem:$0x3570];
	v3 =	vadd.f32 v62, v3;
	v12 =	vadd.f32 v38, v12  }
0x54: {  	v0 =	vadd.f32 v8, v0;
	v10 =	vadd.f32 v18, v10;
	v38 =	vld [tilespmem:$0x35E0]  }
0x55: {  	v8 =	vadd.f32 v32, v31;
	v12 =	vadd.f32 v39, v12;
	v39 =	vld [tilespmem:$0x35F0]  }
0x56: {  	v40 =	vld [tilespmem:$0x3660];
	v0 =	vadd.f32 v9, v0;
	v9 =	vadd.f32 v34, v33  }
0x57: {  	v42 =	vld [tilespmem:$0x3670];
	v2 =	vadd.f32 v28, v2;
	v8 =	vadd.f32 v35, v8  }
0x58: {  	v54 =	vld [tilespmem:$0x3860];
	v41 =	vadd.f32 v43, v22;
	v43 =	vadd.f32 v37, v9  }
0x59: {  	v1 =	vld [tilespmem:$0x37C0];
	v3 =	vadd.f32 v63, v3;
	v8 =	vadd.f32 v38, v8  }
0x5a: {  	v24 =	vld [tilespmem:$0x37D0];
	v18 =	vadd.f32 v44, v41;
	v4 =	vadd.f32 v39, v43  }
0x5b: {  	v11 =	vld [tilespmem:$0x3840];
	v10 =	vadd.f32 v19, v10;
	v8 =	vadd.f32 v40, v8  }
0x5c: {  	v25 =	vld [tilespmem:$0x3850];
	v50 =	vadd.f32 v45, v18;
	v4 =	vadd.f32 v42, v4  }
0x5d: {  	v20 =	vld [tilespmem:$0x38C0];
	v2 =	vadd.f32 v29, v2;
	v8 =	vadd.f32 v47, v8  }
0x5e: {  	v30 =	vld [tilespmem:$0x38D0];
	v17 =	vadd.f32 v46, v50;
	v4 =	vadd.f32 v48, v4  }
0x5f: {  	v55 =	vld [tilespmem:$0x3870];
	v3 =	vadd.f32 v24, v3;
	v8 =	vadd.f32 v49, v8  }
0x60: {  	v56 =	vld [tilespmem:$0x38E0];
	v1 =	vadd.f32 v1, v17;
	v4 =	vadd.f32 v51, v4  }
0x61: {  	v59 =	vld [tilespmem:$0x38F0];
	[tilespmem:$0x3C00] =	vst v0;
	v3 =	vadd.f32 v25, v3;
	v58 =	vadd.f32 v52, v8  }
0x62: {  	[tilespmem:$0x3C10] =	vst v10;
	v57 =	vadd.f32 v11, v1;
	v4 =	vadd.f32 v53, v4  }
0x63: {  	[tilespmem:$0x3C20] =	vst v2;
	v60 =	vadd.f32 v30, v3;
	v1 =	vadd.f32 v54, v58  }
0x64: {  	[tilespmem:$0x3C30] =	vst v12;
	v0 =	vadd.f32 v20, v57;
	v61 =	vadd.f32 v55, v4  }
0x65: {  	[tilespmem:$0x3C50] =	vst v60;
	v62 =	vadd.f32 v56, v1  }
0x66: {  	[tilespmem:$0x3C40] =	vst v0;
	v63 =	vadd.f32 v59, v61  }
0x67: {  	[tilespmem:$0x3C60] =	vst v62  }
0x68: {  	s23 =	simm.s32 $0x0;
	s17 =	simm.s32 $0x0;
	[tilespmem:$0x3C70] =	vst v63  }
0x69: {  	s18 =	simm.s32 $0x0;
	s19 =	simm.s32 $0x0;
	_ =	strace $0x80000048  }
0x6a: {  	[tilespmem:s11], [sflag:$0x2] =	stream.linear.gather [hbm4b:s8+s5], $0x80, $0x200038;
	[tilespmem:$0x3F80] =	vst v63  }
0x6b: {  	s20 =	simm.s32 $0x1;
	s21 =	simm.s32 $0x0;
	_ =	strace $0x90000048  }
.LBB2_2:
0x6c: {  	s22 =	sadd.s32 $0x1, s23  }
0x6d: {  	p0 =	seq.s32 s22, $0x40  }
0x6e: {  	s22 =	simm.s32 @p0 $0x0  }
0x6f: {  	p6 =	sne.s32 s21, $0x3F;
	p1 =	sne.s32 s23, s22  }
0x70: {  	p0 =	por !p6, !p1  }
0x71: {  	p0 =	por !p0, !p0  }
0x72: {  	s24 =	sadd.s32 @p0 s6, s22  }
0x73: {  	s25 =	sshll.u32 @p0 s22, $0x7;
	s24 =	sshll.u32 @p0 s24, $0x7  }
0x74: {  	s25 =	sand.u32 @p0 $0x380, s25;
	s24 =	sand.u32 @p0 $0xFFFFFC00, s24  }
0x75: {  	s26 =	sand.u32 @p0 $0x1, s20;
	_ =	strace @p0 $0x80000049;
	s24 =	sor.u32 @p0 s25, s24  }
0x76: {  	s28 =	simm.s32 @p0 $0x0;
	s25 =	sshll.u32 @p0 s26, $0x7;
	s24 =	sshrl.u32 @p0 s24, $0x3  }
0x77: {  	s26 =	sor.u32 @p0 $0x2, s26;
	s25 =	sadd.s32 @p0 $0x3C80, s25;
	s24 =	sadd.s32 @p0 s7, s24  }
0x78: {  	[tilespmem:s25], [sflag:s26] =	stream.linear.gather @p0 [hbm4b:s24+s28], $0x80, $0x200038;
	[tilespmem:$0x3F80] =	vst v63  }
0x79: {  	s26 =	sand.u32 $0x1, s19;
	_ =	strace @p0 $0x90000049  }
0x7a: {  	s24 =	sor.u32 $0x2, s26;
	_ =	strace $0x8000004A  }
0x7b: {  	_ =	swait.ge [sflag:s24], $0x80  }
0x7c: {  	[sflag:s24] =	ssyncset.done $0x0  }
0x7d: {  	s28 =	sshll.u32 s19, $0x7;
	[sflag:s24] =	ssyncadd.s32 $0xFFFFFF80  }
0x7e: {  	s24 =	sand.u32 $0x80, s28;
	_ =	strace $0x9000004A  }
0x7f: {  	s29 =	simm.s32 $0x0;
	s24 =	sadd.s32 $0x3C80, s24;
	_ =	strace $0x8000004B  }
0x80: {  	[tilespmem:s29], [sflag:$0x6] =	stream.indirect.gather [hbm4b:s1+s12], $0x80, s24, s12, $0x2000b8;
	[tilespmem:$0x3F80] =	vst v63  }
0x81: {  	_ =	swait.ge [sflag:s13], $0x3200  }
0x82: {  	[sflag:s13] =	ssyncset.done $0x0  }
0x83: {  	[sflag:s13] =	ssyncadd.s32 $0xFFFFCE00  }
0x84: {  	v8 =	vld [tilespmem:$0x3C00]  }
0x85: {  	v10 =	vld [tilespmem:$0x3C10]  }
0x86: {  	v5 =	vld [tilespmem:$0x3C20]  }
0x87: {  	v4 =	vld [tilespmem:$0x3C30]  }
0x88: {  	v3 =	vld [tilespmem:$0x3C40]  }
0x89: {  	v2 =	vld [tilespmem:$0x3C50]  }
0x8a: {  	v1 =	vld [tilespmem:$0x3C60]  }
0x8b: {  	s30 =	simm.s32 $0x0;
	v0 =	vld [tilespmem:$0x3C70]  }
0x8c: {  	v6 =	vld [tilespmem:s30+$0x70]  }
0x8d: {  	v9 =	vld [tilespmem:s30+$0x0]  }
0x8e: {  	v13 =	vld [tilespmem:s30+$0x10]  }
0x8f: {  	v12 =	vld [tilespmem:s30+$0x20]  }
0x90: {  	v11 =	vld [tilespmem:s30+$0x30]  }
0x91: {  	v7 =	vld [tilespmem:s30+$0x40]  }
0x92: {  	v0 =	vadd.f32 v6, v0;
	v6 =	vld [tilespmem:s30+$0x50]  }
0x93: {  	s25 =	simm.s32 $0x80;
	s26 =	simm.s32 $0x400;
	s24 =	sadd.s32 s6, s23;
	v9 =	vadd.f32 v9, v8;
	v10 =	vadd.f32 v13, v10;
	v8 =	vld [tilespmem:s30+$0x60]  }
.LBB2_3:
0x94: {  	p2 =	sne.s32 s26, $0x6200;
	v13 =	vld [tilespmem:s25+$0x70];
	v5 =	vadd.f32 v12, v5  }
0x95: {  	v14 =	vld [tilespmem:s25+$0x0];
	v4 =	vadd.f32 v11, v4  }
0x96: {  	v15 =	vld [tilespmem:s25+$0x10];
	v3 =	vadd.f32 v7, v3  }
.Ltmp0:
0x97: {  	v12 =	vld [tilespmem:s25+$0x20];
	v2 =	vadd.f32 v6, v2;
	(pc) =	sbr.rel @p2 .LBB2_3-.Ltmp0, $4  }
0x98: {  	v11 =	vld [tilespmem:s25+$0x30];
	v1 =	vadd.f32 v8, v1  }
0x99: {  	v7 =	vld [tilespmem:s25+$0x40];
	v0 =	vadd.f32 v13, v0  }
0x9a: {  	v9 =	vadd.f32 v14, v9;
	v6 =	vld [tilespmem:s25+$0x50]  }
0x9b: {  	v10 =	vadd.f32 v15, v10;
	v8 =	vld [tilespmem:s25+$0x60];
	s25 =	sshra.s32 s26, $0x2;
	s26 =	sadd.s32 $0x200, s26  }
0x9c: {  	v13 =	vld [tilespmem:s25+$0x0]  }
0x9d: {  	v14 =	vld [tilespmem:s25+$0x10]  }
0x9e: {  	v15 =	vld [tilespmem:s25+$0x20]  }
0x9f: {  	v16 =	vld [tilespmem:s25+$0x30]  }
0xa0: {  	v17 =	vld [tilespmem:s25+$0x40]  }
0xa1: {  	v5 =	vadd.f32 v12, v5;
	v12 =	vld [tilespmem:s25+$0x50];
	v9 =	vadd.f32 v13, v9  }
0xa2: {  	v4 =	vadd.f32 v11, v4;
	v11 =	vld [tilespmem:s25+$0x60];
	v10 =	vadd.f32 v14, v10  }
0xa3: {  	v3 =	vadd.f32 v7, v3;
	v7 =	vld [tilespmem:s25+$0x70];
	s25 =	sand.u32 $0x1, s18;
	v5 =	vadd.f32 v15, v5;
	v9 =	vmul.f32 $1.666666750e-02, v9  }
0xa4: {  	v2 =	vadd.f32 v6, v2;
	s26 =	sshll.u32 s25, $0x8;
	v4 =	vadd.f32 v16, v4;
	v6 =	vmul.f32 $1.666666750e-02, v10  }
0xa5: {  	v1 =	vadd.f32 v8, v1;
	v3 =	vadd.f32 v17, v3;
	v5 =	vmul.f32 $1.666666750e-02, v5;
	[tilespmem:s26+$0x3D80] =	vst v9  }
0xa6: {  	v2 =	vadd.f32 v12, v2;
	v4 =	vmul.f32 $1.666666750e-02, v4;
	[tilespmem:s26+$0x3D90] =	vst v6  }
0xa7: {  	v1 =	vadd.f32 v11, v1;
	v3 =	vmul.f32 $1.666666750e-02, v3;
	[tilespmem:s26+$0x3DA0] =	vst v5  }
0xa8: {  	v0 =	vadd.f32 v7, v0;
	v2 =	vmul.f32 $1.666666750e-02, v2;
	[tilespmem:s26+$0x3DB0] =	vst v4  }
0xa9: {  	v1 =	vmul.f32 $1.666666750e-02, v1;
	[tilespmem:s26+$0x3DC0] =	vst v3  }
0xaa: {  	[tilespmem:s26+$0x3DD0] =	vst v2;
	v0 =	vmul.f32 $1.666666750e-02, v0  }
0xab: {  	[tilespmem:s26+$0x3DE0] =	vst v1  }
0xac: {  	[tilespmem:s26+$0x3DF0] =	vst v0  }
0xad: {  	v8 =	vld [tilespmem:$0x3C00]  }
0xae: {  	v9 =	vld [tilespmem:$0x3C10]  }
0xaf: {  	v5 =	vld [tilespmem:$0x3C20]  }
0xb0: {  	v4 =	vld [tilespmem:$0x3C30]  }
0xb1: {  	v3 =	vld [tilespmem:$0x3C40]  }
0xb2: {  	v2 =	vld [tilespmem:$0x3C50]  }
0xb3: {  	v1 =	vld [tilespmem:$0x3C60]  }
0xb4: {  	v0 =	vld [tilespmem:$0x3C70]  }
0xb5: {  	v6 =	vld [tilespmem:s31+$0x1970]  }
0xb6: {  	v11 =	vld [tilespmem:s31+$0x1900]  }
0xb7: {  	v13 =	vld [tilespmem:s31+$0x1910]  }
0xb8: {  	v12 =	vld [tilespmem:s31+$0x1920]  }
0xb9: {  	v10 =	vld [tilespmem:s31+$0x1930]  }
0xba: {  	v7 =	vld [tilespmem:s31+$0x1940]  }
0xbb: {  	v0 =	vadd.f32 v6, v0;
	v6 =	vld [tilespmem:s31+$0x1950]  }
0xbc: {  	s29 =	simm.s32 $0x80;
	s30 =	simm.s32 $0x400;
	s28 =	sadd.s32 $0x3D80, s26;
	v8 =	vadd.f32 v11, v8;
	v9 =	vadd.f32 v13, v9;
	v11 =	vld [tilespmem:s31+$0x1960]  }
.LBB2_5:
0xbd: {  	p2 =	sne.s32 s30, $0x6200;
	v13 =	vld [tilespmem:s29+$0x1970];
	v5 =	vadd.f32 v12, v5  }
0xbe: {  	v14 =	vld [tilespmem:s29+$0x1900];
	v4 =	vadd.f32 v10, v4  }
0xbf: {  	v15 =	vld [tilespmem:s29+$0x1910];
	v3 =	vadd.f32 v7, v3  }
.Ltmp1:
0xc0: {  	v12 =	vld [tilespmem:s29+$0x1920];
	v2 =	vadd.f32 v6, v2;
	(pc) =	sbr.rel @p2 .LBB2_5-.Ltmp1, $4  }
0xc1: {  	v10 =	vld [tilespmem:s29+$0x1930];
	v1 =	vadd.f32 v11, v1  }
0xc2: {  	v7 =	vld [tilespmem:s29+$0x1940];
	v0 =	vadd.f32 v13, v0  }
0xc3: {  	v8 =	vadd.f32 v14, v8;
	v6 =	vld [tilespmem:s29+$0x1950]  }
0xc4: {  	v9 =	vadd.f32 v15, v9;
	v11 =	vld [tilespmem:s29+$0x1960];
	s29 =	sshra.s32 s30, $0x2;
	s30 =	sadd.s32 $0x200, s30  }
0xc5: {  	v13 =	vld [tilespmem:s29+$0x1900]  }
0xc6: {  	v14 =	vld [tilespmem:s29+$0x1910]  }
0xc7: {  	v15 =	vld [tilespmem:s29+$0x1920]  }
0xc8: {  	v16 =	vld [tilespmem:s29+$0x1930]  }
0xc9: {  	v17 =	vld [tilespmem:s29+$0x1940]  }
0xca: {  	v5 =	vadd.f32 v12, v5;
	v60 =	vld [tilespmem:s29+$0x1950];
	v8 =	vadd.f32 v13, v8  }
0xcb: {  	v62 =	vld [tilespmem:s29+$0x1970];
	v4 =	vadd.f32 v10, v4;
	v9 =	vadd.f32 v14, v9  }
0xcc: {  	v61 =	vld [tilespmem:s29+$0x1960];
	v3 =	vadd.f32 v7, v3;
	v5 =	vadd.f32 v15, v5;
	v8 =	vmul.f32 $1.666666750e-02, v8  }
0xcd: {  	v2 =	vadd.f32 v6, v2;
	v4 =	vadd.f32 v16, v4;
	v63 =	vmul.f32 $1.666666750e-02, v9  }
0xce: {  	v3 =	vadd.f32 v17, v3;
	v5 =	vmul.f32 $1.666666750e-02, v5;
	[tilespmem:s26+$0x3E00] =	vst v8  }
0xcf: {  	v1 =	vadd.f32 v11, v1;
	v2 =	vadd.f32 v60, v2;
	v4 =	vmul.f32 $1.666666750e-02, v4;
	[tilespmem:s26+$0x3E10] =	vst v63  }
0xd0: {  	p2 =	seq.s32 s21, $0x3F;
	v0 =	vadd.f32 v62, v0;
	v3 =	vmul.f32 $1.666666750e-02, v3;
	[tilespmem:s26+$0x3E20] =	vst v5  }
0xd1: {  	p1 =	por p2, p1;
	v1 =	vadd.f32 v61, v1;
	v2 =	vmul.f32 $1.666666750e-02, v2;
	[tilespmem:s26+$0x3E30] =	vst v4  }
0xd2: {  	s24 =	sshll.u32 @p1 s24, $0x8;
	s23 =	sshll.u32 @p1 s23, $0x8;
	v0 =	vmul.f32 $1.666666750e-02, v0;
	[tilespmem:s26+$0x3E40] =	vst v3  }
0xd3: {  	s24 =	sand.u32 @p1 $0xFFFFFC00, s24;
	s23 =	sand.u32 @p1 $0x300, s23;
	v1 =	vmul.f32 $1.666666750e-02, v1;
	[tilespmem:s26+$0x3E50] =	vst v2  }
0xd4: {  	s23 =	sor.u32 @p1 s23, s24;
	[tilespmem:s26+$0x3E70] =	vst v0  }
0xd5: {  	s24 =	sor.u32 @p1 $0x4, s25;
	s25 =	simm.s32 @p1 $0x0;
	s23 =	sshrl.u32 @p1 s23, $0x3;
	[tilespmem:s26+$0x3E60] =	vst v1  }
0xd6: {  	s23 =	sadd.s32 @p1 s3, s23;
	s26 =	simm.s32 $0x1;
	_ =	strace $0x9000004B  }
0xd7: {  	s26 =	simm.s32 @!p0 $0x0;
	p0 =	seq.s32 s21, $0x0;
	_ =	strace @p1 $0x8000004C  }
0xd8: {  	[hbm4b:s23+s25] =	stream.linear.scatter @p1 [tilespmem:s28], [sflag:s24], $0x100, $0x200038;
	[tilespmem:$0x3F80] =	vst v63  }
0xd9: {  	s23 =	simm.s32 $0x1;
	s25 =	simm.s32 $0x1;
	_ =	strace @p1 $0x9000004C  }
0xda: {  	s23 =	simm.s32 @!p1 $0x0;
	p1 =	sne.s32 s21, $0x0;
	s21 =	sadd.s32 $0x1, s21  }
0xdb: {  	s24 =	sand.u32 @!p0 $0x1, s17;
	s25 =	simm.s32 @!p1 $0x0;
	p1 =	sne.s32 s21, $0x40  }
.Ltmp2:
0xdc: {  	s24 =	sor.u32 @!p0 $0x4, s24;
	_ =	strace @!p0 $0x8000004D;
	(pc) =	sbr.rel @p1 .LBB2_2-.Ltmp2, $4  }
0xdd: {  	_ =	swait.ge @!p0 [sflag:s24], $0x100  }
0xde: {  	s20 =	sadd.s32 s26, s20;
	[sflag:s24] =	ssyncset.done @!p0 $0x0  }
0xdf: {  	s18 =	sadd.s32 s23, s18;
	s19 =	sadd.s32 s23, s19;
	[sflag:s24] =	ssyncadd.s32 @!p0 $0xFFFFFF00  }
0xe0: {  	s23 =	smov.u32 s22;
	s17 =	sadd.s32 s25, s17;
	_ =	strace @!p0 $0x9000004D  }
0xe1: {  	s16 =	sadd.s32 $0x1, s16  }
0xe2: {  	p0 =	sne.s32 s16, s9  }
.Ltmp3:
0xe3: {  	_ =	strace $0x8000004E;
	(pc) =	sbr.rel @p0 .LBB2_1-.Ltmp3, $4  }
0xe4: {  	_ =	swait.ge [sflag:s15], $0x100  }
0xe5: {  	[sflag:s15] =	ssyncset.done $0x0  }
0xe6: {  	[sflag:s15] =	ssyncadd.s32 $0xFFFFFF00  }
0xe7: {  	_ =	strace $0x9000004E  }
0xe8: {  	_ =	sfence.sel $0x180000  }
0xe9: {  	[bflag:$0x0] =	sbarrier.arrive $0xFFFF  }
0xea: {  	p0 =	sne.s32 s4, $0x0;
	_ =	strace $0x90000047  }
0xeb: {  	s0 =	sadd.s32 @!p0 $0x100000, s0;
	[bflag:$0x2] =	sbarrier.arrive $0xFFFF  }
0xec: {  	[sflag:s0] =	ssyncadd.tile.s32 @!p0 $0x1;
	_ =	shalt  }
.Lfunc_end2:
_tile_overlayer_lowered:
.L_overlay_start_2:
0xed: {  	(tag) =	ssettag $0x2  }
0xee: {  	s0 =	rddreg [dreg:$0x0];
	s2 =	stileid.u32  }
0xef: {  	s1 =	rddreg [dreg:$0x1];
	p0 =	sne.s32 s2, $0x0  }
0xf0: {  	s3 =	rddreg [dreg:$0x2];
	[bflag:$0x3] =	sbarrier.arrive $0xFFFF;
	s2 =	simm.s32 @!p0 $0x1C02  }
0xf1: {  	[timem:s3], [sflag:s2] =	dma.local @!p0 [hbm:s0], s1  }
0xf2: {  	s0 =	simm.s32 @!p0 $0x2  }
0xf3: {  	_ =	swait.ge @!p0 [sflag:s0], s1  }
0xf4: {  	s1 =	ssub.s32 @!p0 $0x0, s1;
	[sflag:s0] =	ssyncset.done @!p0 $0x0  }
0xf5: {  	[sflag:s0] =	ssyncadd.s32 @!p0 s1  }
0xf6: {  	[bflag:$0x3] =	sbarrier.arrive $0xFFFF  }
0xf7: {  	_ =	shalt  }

</sc_bundles>
